<compile_context>
chip_gen: v7x
topology: tpu7x:2x2x1
jax: 0.10.2.dev20260603
libtpu: 0.0.44.dev20260713+nightly
codegen_flags: <defaults>
</compile_context>

<pallas_src>
import functools

import jax
import jax.numpy as jnp
from jax import lax
from jax.experimental import pallas as pl
from jax.experimental.pallas import tpu as pltpu
from jax.experimental.pallas import tpu_sc as plsc

N_NODES = 10000
N_EDGES = 320000
IN_CH = 128
OUT_CH = 128
HID = 256

NPAD = 10240
EPAD = 327680
NSUB = 16
NCORE = 2
ROWS_PER_SUB = NPAD // NSUB
CHUNK = 128
CH_SPLIT = EPAD // (NCORE * NSUB) // CHUNK
CH_ALL = EPAD // NSUB // CHUNK

_f32 = jnp.float32

_MESH = plsc.VectorSubcoreMesh(core_axis_name="c", subcore_axis_name="s")


def _deg_body(dst_hbm, ones_hbm, zeros_hbm, out_hbm, idx_v, ones_v, acc_sh):
    c = lax.axis_index("c")
    s = lax.axis_index("s")
    w = c * NSUB + s
    pltpu.sync_copy(dst_hbm.at[pl.ds(w * CH_SPLIT, CH_SPLIT)], idx_v)
    pltpu.sync_copy(ones_hbm, ones_v)
    pltpu.sync_copy(zeros_hbm, acc_sh.at[pl.ds(s * ROWS_PER_SUB, ROWS_PER_SUB)])
    plsc.subcore_barrier()

    def chunk(j, carry):
        pltpu.sync_copy(ones_v, acc_sh.at[idx_v.at[j]], add=True)
        return carry

    lax.fori_loop(0, CH_SPLIT, chunk, 0)
    plsc.subcore_barrier()
    pltpu.sync_copy(
        acc_sh.at[pl.ds(s * ROWS_PER_SUB, ROWS_PER_SUB)],
        out_hbm.at[pl.ds(c * NPAD + s * ROWS_PER_SUB, ROWS_PER_SUB)],
    )


_deg_call = functools.partial(
    pl.kernel,
    out_type=jax.ShapeDtypeStruct((NCORE * NPAD, 128), _f32),
    mesh=_MESH,
    scratch_types=[
        pltpu.VMEM((CH_SPLIT, CHUNK), jnp.int32),
        pltpu.VMEM((CHUNK, 128), _f32),
        pltpu.VMEM_SHARED((NPAD, 128), _f32),
    ],
)(_deg_body)


SB = 16
D = 128


def _make_agg(chunks):
    n_super = chunks // SB

    def body(table_hbm, src_hbm, dst_hbm, out_hbm,
             sidx_v, didx_v, rows_a, rows_b, acc_sh,
             sem_ga, sem_gb, sem_sa, sem_sb):
        c = lax.axis_index("c")
        s = lax.axis_index("s")
        w = c * NSUB + s
        pltpu.sync_copy(
            table_hbm.at[pl.ds(c * NPAD + s * ROWS_PER_SUB, ROWS_PER_SUB)],
            acc_sh.at[pl.ds(s * ROWS_PER_SUB, ROWS_PER_SUB)],
        )
        plsc.subcore_barrier()

        def superblock(sb, carry):
            pltpu.sync_copy(src_hbm.at[pl.ds(w * chunks + sb * SB, SB)], sidx_v)
            pltpu.sync_copy(dst_hbm.at[pl.ds(w * chunks + sb * SB, SB)], didx_v)
            pltpu.async_copy(table_hbm.at[sidx_v.at[0]], rows_a, sem_ga)
            pltpu.async_copy(table_hbm.at[sidx_v.at[1]], rows_b, sem_gb)

            def pair(jp, carry2):
                j = jp * 2
                pltpu.make_async_copy(table_hbm.at[sidx_v.at[j]], rows_a,
                                      sem_ga).wait()
                sa = pltpu.async_copy(rows_a, acc_sh.at[didx_v.at[j]], sem_sa,
                                      add=True)
                pltpu.make_async_copy(table_hbm.at[sidx_v.at[j + 1]], rows_b,
                                      sem_gb).wait()
                sb_ = pltpu.async_copy(rows_b, acc_sh.at[didx_v.at[j + 1]],
                                       sem_sb, add=True)

                @pl.when(jp + 1 < SB // 2)
                def _():
                    sa.wait()
                    pltpu.async_copy(table_hbm.at[sidx_v.at[j + 2]], rows_a,
                                     sem_ga)
                    sb_.wait()
                    pltpu.async_copy(table_hbm.at[sidx_v.at[j + 3]], rows_b,
                                     sem_gb)

                @pl.when(jp + 1 == SB // 2)
                def _():
                    sa.wait()
                    sb_.wait()

                return carry2

            lax.fori_loop(0, SB // 2, pair, 0)
            return carry

        lax.fori_loop(0, n_super, superblock, 0)
        plsc.subcore_barrier()
        pltpu.sync_copy(
            acc_sh.at[pl.ds(s * ROWS_PER_SUB, ROWS_PER_SUB)],
            out_hbm.at[pl.ds(c * NPAD + s * ROWS_PER_SUB, ROWS_PER_SUB)],
        )

    return functools.partial(
        pl.kernel,
        out_type=jax.ShapeDtypeStruct((NCORE * NPAD, D), _f32),
        mesh=_MESH,
        scratch_types=[
            pltpu.VMEM((SB, CHUNK), jnp.int32),
            pltpu.VMEM((SB, CHUNK), jnp.int32),
            pltpu.VMEM((CHUNK, D), _f32),
            pltpu.VMEM((CHUNK, D), _f32),
            pltpu.VMEM_SHARED((NPAD, D), _f32),
            pltpu.SemaphoreType.DMA,
            pltpu.SemaphoreType.DMA,
            pltpu.SemaphoreType.DMA,
            pltpu.SemaphoreType.DMA,
        ],
    )(body)


_agg_l1 = _make_agg(CH_ALL)
_agg_l2 = _make_agg(CH_SPLIT)

_BLK = 512
_GRID = NPAD // _BLK


def _tcm_body(x_ref, w0_ref, xw_ref):
    xw_ref[...] = jnp.dot(x_ref[...], w0_ref[...], preferred_element_type=_f32)


def _tc_mm(xp, w0):
    return pl.pallas_call(
        _tcm_body,
        grid=(_GRID,),
        in_specs=[
            pl.BlockSpec((_BLK, IN_CH), lambda i: (i, 0)),
            pl.BlockSpec((IN_CH, HID), lambda i: (0, 0)),
        ],
        out_specs=pl.BlockSpec((_BLK, HID), lambda i: (i, 0)),
        out_shape=jax.ShapeDtypeStruct((NPAD, HID), _f32),
    )(xp, w0)


def _tca_body(xw_ref, degt_ref, y_ref, dinv_ref):
    deg = degt_ref[0][:, 0:1] + degt_ref[1][:, 0:1] + 1.0
    di = lax.rsqrt(deg)
    dinv_ref[...] = di
    yv = xw_ref[...] * di
    y_ref[0] = yv[:, :HID // 2]
    y_ref[1] = yv[:, HID // 2:]


def _tc_a(xw, degt):
    return pl.pallas_call(
        _tca_body,
        grid=(_GRID,),
        in_specs=[
            pl.BlockSpec((_BLK, HID), lambda i: (i, 0)),
            pl.BlockSpec((2, _BLK, 128), lambda i: (0, i, 0)),
        ],
        out_specs=[
            pl.BlockSpec((2, _BLK, HID // 2), lambda i: (0, i, 0)),
            pl.BlockSpec((_BLK, 1), lambda i: (i, 0)),
        ],
        out_shape=[
            jax.ShapeDtypeStruct((2, NPAD, HID // 2), _f32),
            jax.ShapeDtypeStruct((NPAD, 1), _f32),
        ],
    )(xw, degt)


def _tcb_body(agg_ref, dinv_ref, b0_ref, w1_ref, y2_ref):
    agg = jnp.concatenate([agg_ref[0], agg_ref[1]], axis=1)
    di = dinv_ref[...]
    h = jnp.maximum(agg * di + b0_ref[...], 0.0)
    hw = jnp.dot(h, w1_ref[...], preferred_element_type=_f32)
    y2_ref[0] = hw * di
    y2_ref[1] = jnp.zeros((_BLK, OUT_CH), _f32)


def _tc_b(agg1, dinv, b0, w1):
    return pl.pallas_call(
        _tcb_body,
        grid=(_GRID,),
        in_specs=[
            pl.BlockSpec((2, _BLK, HID // 2), lambda i: (0, i, 0)),
            pl.BlockSpec((_BLK, 1), lambda i: (i, 0)),
            pl.BlockSpec((1, HID), lambda i: (0, 0)),
            pl.BlockSpec((HID, OUT_CH), lambda i: (0, 0)),
        ],
        out_specs=pl.BlockSpec((2, _BLK, OUT_CH), lambda i: (0, i, 0)),
        out_shape=jax.ShapeDtypeStruct((2, NPAD, OUT_CH), _f32),
    )(agg1, dinv, b0, w1)


def _tcc_body(p_ref, dinv_ref, b1_ref, o_ref):
    full = p_ref[0] + p_ref[1]
    o_ref[...] = jnp.maximum(full * dinv_ref[...] + b1_ref[...], 0.0)


def _tc_c(p, dinv, b1):
    return pl.pallas_call(
        _tcc_body,
        grid=(_GRID,),
        in_specs=[
            pl.BlockSpec((2, _BLK, OUT_CH), lambda i: (0, i, 0)),
            pl.BlockSpec((_BLK, 1), lambda i: (i, 0)),
            pl.BlockSpec((1, OUT_CH), lambda i: (0, 0)),
        ],
        out_specs=pl.BlockSpec((_BLK, OUT_CH), lambda i: (i, 0)),
        out_shape=jax.ShapeDtypeStruct((NPAD, OUT_CH), _f32),
    )(p, dinv, b1)


def kernel(x, edge_index, W0, b0, W1, b1):
    src = edge_index[0].astype(jnp.int32)
    dst = edge_index[1].astype(jnp.int32)
    pad_e = EPAD - N_EDGES
    src_p = jnp.concatenate([src, jnp.full((pad_e,), N_NODES, jnp.int32)])
    dst_p = jnp.concatenate([dst, jnp.full((pad_e,), N_NODES, jnp.int32)])

    src_rs = src_p.reshape(NSUB * CH_ALL, CHUNK)
    src_l1 = jnp.concatenate([src_rs, src_rs + NPAD], axis=0)
    dst_rs = dst_p.reshape(NSUB * CH_ALL, CHUNK)
    dst_l1 = jnp.concatenate([dst_rs, dst_rs], axis=0)
    src_l2 = src_p.reshape(NCORE * NSUB * CH_SPLIT, CHUNK)
    dst_l2 = dst_p.reshape(NCORE * NSUB * CH_SPLIT, CHUNK)
    dst_deg = dst_p.reshape(NCORE * NSUB * CH_SPLIT, CHUNK)

    xp = jnp.pad(x, ((0, NPAD - N_NODES), (0, 0)))

    ones_r = jnp.ones((CHUNK, 128), _f32)
    zeros_r = jnp.zeros((ROWS_PER_SUB, 128), _f32)
    degp = _deg_call(dst_deg, ones_r, zeros_r)
    degt = degp.reshape(NCORE, NPAD, 128)

    xw = _tc_mm(xp, W0)
    y1, dinv = _tc_a(xw, degt)
    agg1 = _agg_l1(y1.reshape(NCORE * NPAD, D), src_l1, dst_l1)
    y2 = _tc_b(agg1.reshape(NCORE, NPAD, D), dinv,
               b0.reshape(1, HID), W1)
    p = _agg_l2(y2.reshape(NCORE * NPAD, D), src_l2, dst_l2)
    out = _tc_c(p.reshape(NCORE, NPAD, D), dinv, b1.reshape(1, OUT_CH))
    return out[:N_NODES]

# --- scband reference (transcript-rebuilt; emitter-appended) ---
"""Pipeline reference for scband-grace-encoder-78073915506784 (READ-ONLY COPY).

The authoritative reference and input builder live on the scoring server;
editing this copy changes nothing except your own understanding.
"""

import jax, jax.numpy as jnp
import numpy as np

N_NODES = 10000
N_EDGES = 320000
IN_CH = 128
OUT_CH = 128
HID = 2 * OUT_CH


def glorot(key, shape):
    limit = jnp.sqrt(6.0 / (shape[0] + shape[1]))
    return jax.random.uniform(key, shape, minval=-limit, maxval=limit, dtype=jnp.float32)


def setup_inputs(seed: int = 0) -> dict:
    key = jax.random.key(seed)
    k_x, k_e, k_w0, k_w1 = jax.random.split(key, 4)
    x = jax.random.normal(k_x, (N_NODES, IN_CH), dtype=jnp.float32)
    edge_index = jax.random.randint(k_e, (2, N_EDGES), 0, N_NODES, dtype=jnp.int64)
    W0 = glorot(k_w0, (IN_CH, HID))
    b0 = jnp.zeros((HID,), dtype=jnp.float32)
    W1 = glorot(k_w1, (HID, OUT_CH))
    b1 = jnp.zeros((OUT_CH,), dtype=jnp.float32)
    return {"x": x, "edge_index": edge_index, "W0": W0, "b0": b0, "W1": W1, "b1": b1}


def _gcn_conv(x, edge_index, W, b):
    n = x.shape[0]
    loops = jnp.arange(n, dtype=edge_index.dtype)
    src = jnp.concatenate([edge_index[0], loops])
    dst = jnp.concatenate([edge_index[1], loops])
    # symmetric normalization (PyG gcn_norm with add_self_loops=True)
    deg = jnp.zeros((n,), dtype=x.dtype).at[dst].add(1.0)
    deg_inv_sqrt = jnp.where(deg > 0, deg ** -0.5, 0.0)
    norm = deg_inv_sqrt[src] * deg_inv_sqrt[dst]
    xw = x @ W
    msg = jnp.take(xw, src, axis=0) * norm[:, None]
    out = jnp.zeros((n, W.shape[1]), dtype=x.dtype).at[dst].add(msg)
    return out + b


def reference(x, edge_index, W0, b0, W1, b1):
    h = jax.nn.relu(_gcn_conv(x, edge_index, W0, b0))
    out = jax.nn.relu(_gcn_conv(h, edge_index, W1, b1))
    return out

if __name__ == "__main__":
    import jax
    _d = setup_inputs()
    print(jax.jit(kernel)(*tuple(_d.values())))

</pallas_src>

<mosaic_0001>
#map = affine_map<(d0, d1) -> (0, 0)>
module attributes {stable_mosaic.version = 14 : i64} {
  func.func @_deg_body(%arg0: i32, %arg1: i32, %arg2: memref<2560x128xi32, #tpu.memory_space<hbm>>, %arg3: memref<128x128xf32, #tpu.memory_space<hbm>>, %arg4: memref<640x128xf32, #tpu.memory_space<hbm>>, %arg5: memref<20480x128xf32, #tpu.memory_space<hbm>>, %arg6: memref<80x128xi32, #tpu.memory_space<vmem>>, %arg7: memref<128x128xf32, #tpu.memory_space<vmem>>, %arg8: memref<10240x128xf32, #tpu.memory_space<vmem_shared>>) attributes {dimension_semantics = [#tpu.dimension_semantics<core_parallel>, #tpu.dimension_semantics<subcore_parallel>], iteration_bounds = array<i64: 2, 16>, scalar_prefetch = 0 : i64, scratch_operands = 3 : i64, tpu.core_type = #tpu.core_type<sc_vector_subcore>, window_params = [{transform_indices = #map}, {transform_indices = #map}, {transform_indices = #map}, {transform_indices = #map}]} {
    %mul3A = arith.constant 16 : i32
    %mul3A_0 = arith.muli %arg0, %mul3A : i32
    %add3A = arith.addi %mul3A_0, %arg1 : i32
    %mul3A_1 = arith.constant 80 : i32
    %mul3A_2 = arith.muli %add3A, %mul3A_1 : i32
    "tpu.region"() ({
      %run_scoped3A = tpu.sem_alloc : memref<!tpu.dma_semaphore, #tpu.memory_space<semaphore_mem>>
      %dma_start3A = arith.constant 0 : i32
      %dma_start3A_18 = tpu.memref_slice %arg2[%mul3A_2, %dma_start3A] : memref<2560x128xi32, #tpu.memory_space<hbm>> -> memref<80x128xi32, #tpu.memory_space<hbm>>
      %dma_start3A_19 = arith.constant 0 : i32
      %dma_start3A_20 = tpu.memref_slice %arg2[%mul3A_2, %dma_start3A_19] : memref<2560x128xi32, #tpu.memory_space<hbm>> -> memref<80x128xi32, #tpu.memory_space<hbm>>
      tpu.enqueue_dma source(%dma_start3A_20 : memref<80x128xi32, #tpu.memory_space<hbm>>) target(%arg6 : memref<80x128xi32, #tpu.memory_space<vmem>>) target_semaphore(%run_scoped3A : memref<!tpu.dma_semaphore, #tpu.memory_space<semaphore_mem>>)
      %dma_wait3A = arith.constant 0 : i32
      %dma_wait3A_21 = tpu.memref_slice %arg2[%mul3A_2, %dma_wait3A] : memref<2560x128xi32, #tpu.memory_space<hbm>> -> memref<80x128xi32, #tpu.memory_space<hbm>>
      %dma_wait3A_22 = arith.constant 0 : i32
      %dma_wait3A_23 = tpu.memref_slice %arg2[%mul3A_2, %dma_wait3A_22] : memref<2560x128xi32, #tpu.memory_space<hbm>> -> memref<80x128xi32, #tpu.memory_space<hbm>>
      tpu.wait_dma2 semaphore(%run_scoped3A : memref<!tpu.dma_semaphore, #tpu.memory_space<semaphore_mem>>) src(%dma_wait3A_23 : memref<80x128xi32, #tpu.memory_space<hbm>>) dst(%arg6 : memref<80x128xi32, #tpu.memory_space<vmem>>)
      tpu.yield
    }) : () -> ()
    "tpu.region"() ({
      %run_scoped3A = tpu.sem_alloc : memref<!tpu.dma_semaphore, #tpu.memory_space<semaphore_mem>>
      tpu.enqueue_dma source(%arg3 : memref<128x128xf32, #tpu.memory_space<hbm>>) target(%arg7 : memref<128x128xf32, #tpu.memory_space<vmem>>) target_semaphore(%run_scoped3A : memref<!tpu.dma_semaphore, #tpu.memory_space<semaphore_mem>>)
      tpu.wait_dma2 semaphore(%run_scoped3A : memref<!tpu.dma_semaphore, #tpu.memory_space<semaphore_mem>>) src(%arg3 : memref<128x128xf32, #tpu.memory_space<hbm>>) dst(%arg7 : memref<128x128xf32, #tpu.memory_space<vmem>>)
      tpu.yield
    }) : () -> ()
    %mul3A_3 = arith.constant 640 : i32
    %mul3A_4 = arith.muli %arg1, %mul3A_3 : i32
    "tpu.region"() ({
      %run_scoped3A = tpu.sem_alloc : memref<!tpu.dma_semaphore, #tpu.memory_space<semaphore_mem>>
      %dma_start3A = arith.constant 0 : i32
      %dma_start3A_18 = tpu.memref_slice %arg8[%mul3A_4, %dma_start3A] : memref<10240x128xf32, #tpu.memory_space<vmem_shared>> -> memref<640x128xf32, #tpu.memory_space<vmem_shared>>
      tpu.enqueue_dma source(%arg4 : memref<640x128xf32, #tpu.memory_space<hbm>>) target(%dma_start3A_18 : memref<640x128xf32, #tpu.memory_space<vmem_shared>>) target_semaphore(%run_scoped3A : memref<!tpu.dma_semaphore, #tpu.memory_space<semaphore_mem>>)
      %dma_wait3A = arith.constant 0 : i32
      %dma_wait3A_19 = tpu.memref_slice %arg8[%mul3A_4, %dma_wait3A] : memref<10240x128xf32, #tpu.memory_space<vmem_shared>> -> memref<640x128xf32, #tpu.memory_space<vmem_shared>>
      tpu.wait_dma2 semaphore(%run_scoped3A : memref<!tpu.dma_semaphore, #tpu.memory_space<semaphore_mem>>) src(%arg4 : memref<640x128xf32, #tpu.memory_space<hbm>>) dst(%dma_wait3A_19 : memref<640x128xf32, #tpu.memory_space<vmem_shared>>)
      tpu.yield
    }) : () -> ()
    %barrier3A = arith.constant 0 : index
    tpu.barrier barrier_id(%barrier3A)
    %scan3A = arith.constant 0 : i32
    %scan3A_5 = arith.constant 0 : i32
    %scan3A_6 = arith.constant 80 : i32
    %scan3A_7 = arith.addi %scan3A_5, %scan3A_6 : i32
    %scan3A_8 = arith.constant 1 : i32
    scf.for %scan3A_18 = %scan3A_5 to %scan3A_7 step %scan3A_8  : i32 {
      "tpu.region"() ({
        %run_scoped3A = tpu.sem_alloc : memref<!tpu.dma_semaphore, #tpu.memory_space<semaphore_mem>>
        %dma_start3A = arith.constant 0 : i32
        %dma_start3A_19 = tpu.memref_slice %arg6[%scan3A_18, %dma_start3A] : memref<80x128xi32, #tpu.memory_space<vmem>> -> memref<1x128xi32, #tpu.memory_space<vmem>>
        %dma_start3A_20 = tpu.memref_squeeze %dma_start3A_19 : memref<1x128xi32, #tpu.memory_space<vmem>> -> memref<128xi32, #tpu.memory_space<vmem>>
        %dma_start3A_21 = arith.constant 0 : i32
        %dma_start3A_22 = arith.constant 0 : i32
        %dma_start3A_23 = tpu.memref_slice %arg8[%dma_start3A_21, %dma_start3A_22] : memref<10240x128xf32, #tpu.memory_space<vmem_shared>> -> memref<10240x128xf32, #tpu.memory_space<vmem_shared>>
        tpu.enqueue_indirect_dma source(%arg7 : memref<128x128xf32, #tpu.memory_space<vmem>>) target(%dma_start3A_23 : memref<10240x128xf32, #tpu.memory_space<vmem_shared>>) offsets(%dma_start3A_20 : memref<128xi32, #tpu.memory_space<vmem>>) semaphore(%run_scoped3A : memref<!tpu.dma_semaphore, #tpu.memory_space<semaphore_mem>>) {add = true}
        %dma_wait3A = arith.constant 0 : i32
        %dma_wait3A_24 = tpu.memref_slice %arg6[%scan3A_18, %dma_wait3A] : memref<80x128xi32, #tpu.memory_space<vmem>> -> memref<1x128xi32, #tpu.memory_space<vmem>>
        %dma_wait3A_25 = tpu.memref_squeeze %dma_wait3A_24 : memref<1x128xi32, #tpu.memory_space<vmem>> -> memref<128xi32, #tpu.memory_space<vmem>>
        %dma_wait3A_26 = arith.constant 0 : i32
        %dma_wait3A_27 = arith.constant 0 : i32
        %dma_wait3A_28 = tpu.memref_slice %arg8[%dma_wait3A_26, %dma_wait3A_27] : memref<10240x128xf32, #tpu.memory_space<vmem_shared>> -> memref<10240x128xf32, #tpu.memory_space<vmem_shared>>
        tpu.wait_indirect_dma semaphore(%run_scoped3A : memref<!tpu.dma_semaphore, #tpu.memory_space<semaphore_mem>>) src(%arg7 : memref<128x128xf32, #tpu.memory_space<vmem>>) dst(%dma_wait3A_28 : memref<10240x128xf32, #tpu.memory_space<vmem_shared>>)
        tpu.yield
      }) : () -> ()
    }
    %scan3A_9 = arith.constant 80 : i32
    %barrier3A_10 = arith.constant 0 : index
    tpu.barrier barrier_id(%barrier3A_10)
    %mul3A_11 = arith.constant 640 : i32
    %mul3A_12 = arith.muli %arg1, %mul3A_11 : i32
    %mul3A_13 = arith.constant 10240 : i32
    %mul3A_14 = arith.muli %arg0, %mul3A_13 : i32
    %mul3A_15 = arith.constant 640 : i32
    %mul3A_16 = arith.muli %arg1, %mul3A_15 : i32
    %add3A_17 = arith.addi %mul3A_14, %mul3A_16 : i32
    "tpu.region"() ({
      %run_scoped3A = tpu.sem_alloc : memref<!tpu.dma_semaphore, #tpu.memory_space<semaphore_mem>>
      %dma_start3A = arith.constant 0 : i32
      %dma_start3A_18 = tpu.memref_slice %arg5[%add3A_17, %dma_start3A] : memref<20480x128xf32, #tpu.memory_space<hbm>> -> memref<640x128xf32, #tpu.memory_space<hbm>>
      %dma_start3A_19 = arith.constant 0 : i32
      %dma_start3A_20 = tpu.memref_slice %arg8[%mul3A_12, %dma_start3A_19] : memref<10240x128xf32, #tpu.memory_space<vmem_shared>> -> memref<640x128xf32, #tpu.memory_space<vmem_shared>>
      tpu.enqueue_dma source(%dma_start3A_20 : memref<640x128xf32, #tpu.memory_space<vmem_shared>>) target(%dma_start3A_18 : memref<640x128xf32, #tpu.memory_space<hbm>>) target_semaphore(%run_scoped3A : memref<!tpu.dma_semaphore, #tpu.memory_space<semaphore_mem>>)
      %dma_wait3A = arith.constant 0 : i32
      %dma_wait3A_21 = tpu.memref_slice %arg5[%add3A_17, %dma_wait3A] : memref<20480x128xf32, #tpu.memory_space<hbm>> -> memref<640x128xf32, #tpu.memory_space<hbm>>
      %dma_wait3A_22 = arith.constant 0 : i32
      %dma_wait3A_23 = tpu.memref_slice %arg8[%mul3A_12, %dma_wait3A_22] : memref<10240x128xf32, #tpu.memory_space<vmem_shared>> -> memref<640x128xf32, #tpu.memory_space<vmem_shared>>
      tpu.wait_dma2 semaphore(%run_scoped3A : memref<!tpu.dma_semaphore, #tpu.memory_space<semaphore_mem>>) src(%dma_wait3A_23 : memref<640x128xf32, #tpu.memory_space<vmem_shared>>) dst(%dma_wait3A_21 : memref<640x128xf32, #tpu.memory_space<hbm>>)
      tpu.yield
    }) : () -> ()
    return
  }
}

#map = affine_map<(d0, d1) -> (0, 0)>
module attributes {stable_mosaic.version = 14 : i64} {
  func.func @body(%arg0: i32, %arg1: i32, %arg2: memref<20480x128xf32, #tpu.memory_space<hbm>>, %arg3: memref<2560x128xi32, #tpu.memory_space<hbm>>, %arg4: memref<2560x128xi32, #tpu.memory_space<hbm>>, %arg5: memref<20480x128xf32, #tpu.memory_space<hbm>>, %arg6: memref<16x128xi32, #tpu.memory_space<vmem>>, %arg7: memref<16x128xi32, #tpu.memory_space<vmem>>, %arg8: memref<128x128xf32, #tpu.memory_space<vmem>>, %arg9: memref<128x128xf32, #tpu.memory_space<vmem>>, %arg10: memref<10240x128xf32, #tpu.memory_space<vmem_shared>>, %arg11: memref<!tpu.dma_semaphore, #tpu.memory_space<semaphore_mem>>, %arg12: memref<!tpu.dma_semaphore, #tpu.memory_space<semaphore_mem>>, %arg13: memref<!tpu.dma_semaphore, #tpu.memory_space<semaphore_mem>>, %arg14: memref<!tpu.dma_semaphore, #tpu.memory_space<semaphore_mem>>) attributes {dimension_semantics = [#tpu.dimension_semantics<core_parallel>, #tpu.dimension_semantics<subcore_parallel>], iteration_bounds = array<i64: 2, 16>, scalar_prefetch = 0 : i64, scratch_operands = 9 : i64, tpu.core_type = #tpu.core_type<sc_vector_subcore>, window_params = [{transform_indices = #map}, {transform_indices = #map}, {transform_indices = #map}, {transform_indices = #map}]} {
    %mul3A = arith.constant 16 : i32
    %mul3A_0 = arith.muli %arg0, %mul3A : i32
    %add3A = arith.addi %mul3A_0, %arg1 : i32
    %mul3A_1 = arith.constant 10240 : i32
    %mul3A_2 = arith.muli %arg0, %mul3A_1 : i32
    %mul3A_3 = arith.constant 640 : i32
    %mul3A_4 = arith.muli %arg1, %mul3A_3 : i32
    %add3A_5 = arith.addi %mul3A_2, %mul3A_4 : i32
    %mul3A_6 = arith.constant 640 : i32
    %mul3A_7 = arith.muli %arg1, %mul3A_6 : i32
    "tpu.region"() ({
      %run_scoped3A = tpu.sem_alloc : memref<!tpu.dma_semaphore, #tpu.memory_space<semaphore_mem>>
      %dma_start3A = arith.constant 0 : i32
      %dma_start3A_21 = tpu.memref_slice %arg10[%mul3A_7, %dma_start3A] : memref<10240x128xf32, #tpu.memory_space<vmem_shared>> -> memref<640x128xf32, #tpu.memory_space<vmem_shared>>
      %dma_start3A_22 = arith.constant 0 : i32
      %dma_start3A_23 = tpu.memref_slice %arg2[%add3A_5, %dma_start3A_22] : memref<20480x128xf32, #tpu.memory_space<hbm>> -> memref<640x128xf32, #tpu.memory_space<hbm>>
      tpu.enqueue_dma source(%dma_start3A_23 : memref<640x128xf32, #tpu.memory_space<hbm>>) target(%dma_start3A_21 : memref<640x128xf32, #tpu.memory_space<vmem_shared>>) target_semaphore(%run_scoped3A : memref<!tpu.dma_semaphore, #tpu.memory_space<semaphore_mem>>)
      %dma_wait3A = arith.constant 0 : i32
      %dma_wait3A_24 = tpu.memref_slice %arg10[%mul3A_7, %dma_wait3A] : memref<10240x128xf32, #tpu.memory_space<vmem_shared>> -> memref<640x128xf32, #tpu.memory_space<vmem_shared>>
      %dma_wait3A_25 = arith.constant 0 : i32
      %dma_wait3A_26 = tpu.memref_slice %arg2[%add3A_5, %dma_wait3A_25] : memref<20480x128xf32, #tpu.memory_space<hbm>> -> memref<640x128xf32, #tpu.memory_space<hbm>>
      tpu.wait_dma2 semaphore(%run_scoped3A : memref<!tpu.dma_semaphore, #tpu.memory_space<semaphore_mem>>) src(%dma_wait3A_26 : memref<640x128xf32, #tpu.memory_space<hbm>>) dst(%dma_wait3A_24 : memref<640x128xf32, #tpu.memory_space<vmem_shared>>)
      tpu.yield
    }) : () -> ()
    %barrier3A = arith.constant 0 : index
    tpu.barrier barrier_id(%barrier3A)
    %scan3A = arith.constant 0 : i32
    %scan3A_8 = arith.constant 0 : i32
    %scan3A_9 = arith.constant 5 : i32
    %scan3A_10 = arith.addi %scan3A_8, %scan3A_9 : i32
    %scan3A_11 = arith.constant 1 : i32
    scf.for %scan3A_21 = %scan3A_8 to %scan3A_10 step %scan3A_11  : i32 {
      %mul3A_22 = arith.constant 80 : i32
      %mul3A_23 = arith.muli %add3A, %mul3A_22 : i32
      %mul3A_24 = arith.constant 16 : i32
      %mul3A_25 = arith.muli %scan3A_21, %mul3A_24 : i32
      %add3A_26 = arith.addi %mul3A_23, %mul3A_25 : i32
      "tpu.region"() ({
        %run_scoped3A = tpu.sem_alloc : memref<!tpu.dma_semaphore, #tpu.memory_space<semaphore_mem>>
        %dma_start3A_51 = arith.constant 0 : i32
        %dma_start3A_52 = tpu.memref_slice %arg3[%add3A_26, %dma_start3A_51] : memref<2560x128xi32, #tpu.memory_space<hbm>> -> memref<16x128xi32, #tpu.memory_space<hbm>>
        %dma_start3A_53 = arith.constant 0 : i32
        %dma_start3A_54 = tpu.memref_slice %arg3[%add3A_26, %dma_start3A_53] : memref<2560x128xi32, #tpu.memory_space<hbm>> -> memref<16x128xi32, #tpu.memory_space<hbm>>
        tpu.enqueue_dma source(%dma_start3A_54 : memref<16x128xi32, #tpu.memory_space<hbm>>) target(%arg6 : memref<16x128xi32, #tpu.memory_space<vmem>>) target_semaphore(%run_scoped3A : memref<!tpu.dma_semaphore, #tpu.memory_space<semaphore_mem>>)
        %dma_wait3A = arith.constant 0 : i32
        %dma_wait3A_55 = tpu.memref_slice %arg3[%add3A_26, %dma_wait3A] : memref<2560x128xi32, #tpu.memory_space<hbm>> -> memref<16x128xi32, #tpu.memory_space<hbm>>
        %dma_wait3A_56 = arith.constant 0 : i32
        %dma_wait3A_57 = tpu.memref_slice %arg3[%add3A_26, %dma_wait3A_56] : memref<2560x128xi32, #tpu.memory_space<hbm>> -> memref<16x128xi32, #tpu.memory_space<hbm>>
        tpu.wait_dma2 semaphore(%run_scoped3A : memref<!tpu.dma_semaphore, #tpu.memory_space<semaphore_mem>>) src(%dma_wait3A_57 : memref<16x128xi32, #tpu.memory_space<hbm>>) dst(%arg6 : memref<16x128xi32, #tpu.memory_space<vmem>>)
        tpu.yield
      }) : () -> ()
      %mul3A_27 = arith.constant 80 : i32
      %mul3A_28 = arith.muli %add3A, %mul3A_27 : i32
      %mul3A_29 = arith.constant 16 : i32
      %mul3A_30 = arith.muli %scan3A_21, %mul3A_29 : i32
      %add3A_31 = arith.addi %mul3A_28, %mul3A_30 : i32
      "tpu.region"() ({
        %run_scoped3A = tpu.sem_alloc : memref<!tpu.dma_semaphore, #tpu.memory_space<semaphore_mem>>
        %dma_start3A_51 = arith.constant 0 : i32
        %dma_start3A_52 = tpu.memref_slice %arg4[%add3A_31, %dma_start3A_51] : memref<2560x128xi32, #tpu.memory_space<hbm>> -> memref<16x128xi32, #tpu.memory_space<hbm>>
        %dma_start3A_53 = arith.constant 0 : i32
        %dma_start3A_54 = tpu.memref_slice %arg4[%add3A_31, %dma_start3A_53] : memref<2560x128xi32, #tpu.memory_space<hbm>> -> memref<16x128xi32, #tpu.memory_space<hbm>>
        tpu.enqueue_dma source(%dma_start3A_54 : memref<16x128xi32, #tpu.memory_space<hbm>>) target(%arg7 : memref<16x128xi32, #tpu.memory_space<vmem>>) target_semaphore(%run_scoped3A : memref<!tpu.dma_semaphore, #tpu.memory_space<semaphore_mem>>)
        %dma_wait3A = arith.constant 0 : i32
        %dma_wait3A_55 = tpu.memref_slice %arg4[%add3A_31, %dma_wait3A] : memref<2560x128xi32, #tpu.memory_space<hbm>> -> memref<16x128xi32, #tpu.memory_space<hbm>>
        %dma_wait3A_56 = arith.constant 0 : i32
        %dma_wait3A_57 = tpu.memref_slice %arg4[%add3A_31, %dma_wait3A_56] : memref<2560x128xi32, #tpu.memory_space<hbm>> -> memref<16x128xi32, #tpu.memory_space<hbm>>
        tpu.wait_dma2 semaphore(%run_scoped3A : memref<!tpu.dma_semaphore, #tpu.memory_space<semaphore_mem>>) src(%dma_wait3A_57 : memref<16x128xi32, #tpu.memory_space<hbm>>) dst(%arg7 : memref<16x128xi32, #tpu.memory_space<vmem>>)
        tpu.yield
      }) : () -> ()
      %dma_start3A = arith.constant 0 : i32
      %dma_start3A_32 = arith.constant 0 : i32
      %dma_start3A_33 = tpu.memref_slice %arg6[%dma_start3A, %dma_start3A_32] : memref<16x128xi32, #tpu.memory_space<vmem>> -> memref<1x128xi32, #tpu.memory_space<vmem>>
      %dma_start3A_34 = tpu.memref_squeeze %dma_start3A_33 : memref<1x128xi32, #tpu.memory_space<vmem>> -> memref<128xi32, #tpu.memory_space<vmem>>
      %dma_start3A_35 = arith.constant 0 : i32
      %dma_start3A_36 = arith.constant 0 : i32
      %dma_start3A_37 = tpu.memref_slice %arg2[%dma_start3A_35, %dma_start3A_36] : memref<20480x128xf32, #tpu.memory_space<hbm>> -> memref<20480x128xf32, #tpu.memory_space<hbm>>
      tpu.enqueue_indirect_dma source(%dma_start3A_37 : memref<20480x128xf32, #tpu.memory_space<hbm>>) target(%arg8 : memref<128x128xf32, #tpu.memory_space<vmem>>) offsets(%dma_start3A_34 : memref<128xi32, #tpu.memory_space<vmem>>) semaphore(%arg11 : memref<!tpu.dma_semaphore, #tpu.memory_space<semaphore_mem>>)
      %dma_start3A_38 = arith.constant 1 : i32
      %dma_start3A_39 = arith.constant 0 : i32
      %dma_start3A_40 = tpu.memref_slice %arg6[%dma_start3A_38, %dma_start3A_39] : memref<16x128xi32, #tpu.memory_space<vmem>> -> memref<1x128xi32, #tpu.memory_space<vmem>>
      %dma_start3A_41 = tpu.memref_squeeze %dma_start3A_40 : memref<1x128xi32, #tpu.memory_space<vmem>> -> memref<128xi32, #tpu.memory_space<vmem>>
      %dma_start3A_42 = arith.constant 0 : i32
      %dma_start3A_43 = arith.constant 0 : i32
      %dma_start3A_44 = tpu.memref_slice %arg2[%dma_start3A_42, %dma_start3A_43] : memref<20480x128xf32, #tpu.memory_space<hbm>> -> memref<20480x128xf32, #tpu.memory_space<hbm>>
      tpu.enqueue_indirect_dma source(%dma_start3A_44 : memref<20480x128xf32, #tpu.memory_space<hbm>>) target(%arg9 : memref<128x128xf32, #tpu.memory_space<vmem>>) offsets(%dma_start3A_41 : memref<128xi32, #tpu.memory_space<vmem>>) semaphore(%arg12 : memref<!tpu.dma_semaphore, #tpu.memory_space<semaphore_mem>>)
      %scan3A_45 = arith.constant 0 : i32
      %scan3A_46 = arith.constant 0 : i32
      %scan3A_47 = arith.constant 8 : i32
      %scan3A_48 = arith.addi %scan3A_46, %scan3A_47 : i32
      %scan3A_49 = arith.constant 1 : i32
      scf.for %scan3A_51 = %scan3A_46 to %scan3A_48 step %scan3A_49  : i32 {
        %mul3A_52 = arith.constant 2 : i32
        %mul3A_53 = arith.muli %scan3A_51, %mul3A_52 : i32
        %dma_wait3A = arith.constant 0 : i32
        %dma_wait3A_54 = tpu.memref_slice %arg6[%mul3A_53, %dma_wait3A] : memref<16x128xi32, #tpu.memory_space<vmem>> -> memref<1x128xi32, #tpu.memory_space<vmem>>
        %dma_wait3A_55 = tpu.memref_squeeze %dma_wait3A_54 : memref<1x128xi32, #tpu.memory_space<vmem>> -> memref<128xi32, #tpu.memory_space<vmem>>
        %dma_wait3A_56 = arith.constant 0 : i32
        %dma_wait3A_57 = arith.constant 0 : i32
        %dma_wait3A_58 = tpu.memref_slice %arg2[%dma_wait3A_56, %dma_wait3A_57] : memref<20480x128xf32, #tpu.memory_space<hbm>> -> memref<20480x128xf32, #tpu.memory_space<hbm>>
        tpu.wait_indirect_dma semaphore(%arg11 : memref<!tpu.dma_semaphore, #tpu.memory_space<semaphore_mem>>) src(%dma_wait3A_58 : memref<20480x128xf32, #tpu.memory_space<hbm>>) dst(%arg8 : memref<128x128xf32, #tpu.memory_space<vmem>>)
        %dma_start3A_59 = arith.constant 0 : i32
        %dma_start3A_60 = tpu.memref_slice %arg7[%mul3A_53, %dma_start3A_59] : memref<16x128xi32, #tpu.memory_space<vmem>> -> memref<1x128xi32, #tpu.memory_space<vmem>>
        %dma_start3A_61 = tpu.memref_squeeze %dma_start3A_60 : memref<1x128xi32, #tpu.memory_space<vmem>> -> memref<128xi32, #tpu.memory_space<vmem>>
        %dma_start3A_62 = arith.constant 0 : i32
        %dma_start3A_63 = arith.constant 0 : i32
        %dma_start3A_64 = tpu.memref_slice %arg10[%dma_start3A_62, %dma_start3A_63] : memref<10240x128xf32, #tpu.memory_space<vmem_shared>> -> memref<10240x128xf32, #tpu.memory_space<vmem_shared>>
        tpu.enqueue_indirect_dma source(%arg8 : memref<128x128xf32, #tpu.memory_space<vmem>>) target(%dma_start3A_64 : memref<10240x128xf32, #tpu.memory_space<vmem_shared>>) offsets(%dma_start3A_61 : memref<128xi32, #tpu.memory_space<vmem>>) semaphore(%arg13 : memref<!tpu.dma_semaphore, #tpu.memory_space<semaphore_mem>>) {add = true}
        %add3A_65 = arith.constant 1 : i32
        %add3A_66 = arith.addi %mul3A_53, %add3A_65 : i32
        %dma_wait3A_67 = arith.constant 0 : i32
        %dma_wait3A_68 = tpu.memref_slice %arg6[%add3A_66, %dma_wait3A_67] : memref<16x128xi32, #tpu.memory_space<vmem>> -> memref<1x128xi32, #tpu.memory_space<vmem>>
        %dma_wait3A_69 = tpu.memref_squeeze %dma_wait3A_68 : memref<1x128xi32, #tpu.memory_space<vmem>> -> memref<128xi32, #tpu.memory_space<vmem>>
        %dma_wait3A_70 = arith.constant 0 : i32
        %dma_wait3A_71 = arith.constant 0 : i32
        %dma_wait3A_72 = tpu.memref_slice %arg2[%dma_wait3A_70, %dma_wait3A_71] : memref<20480x128xf32, #tpu.memory_space<hbm>> -> memref<20480x128xf32, #tpu.memory_space<hbm>>
        tpu.wait_indirect_dma semaphore(%arg12 : memref<!tpu.dma_semaphore, #tpu.memory_space<semaphore_mem>>) src(%dma_wait3A_72 : memref<20480x128xf32, #tpu.memory_space<hbm>>) dst(%arg9 : memref<128x128xf32, #tpu.memory_space<vmem>>)
        %add3A_73 = arith.constant 1 : i32
        %add3A_74 = arith.addi %mul3A_53, %add3A_73 : i32
        %dma_start3A_75 = arith.constant 0 : i32
        %dma_start3A_76 = tpu.memref_slice %arg7[%add3A_74, %dma_start3A_75] : memref<16x128xi32, #tpu.memory_space<vmem>> -> memref<1x128xi32, #tpu.memory_space<vmem>>
        %dma_start3A_77 = tpu.memref_squeeze %dma_start3A_76 : memref<1x128xi32, #tpu.memory_space<vmem>> -> memref<128xi32, #tpu.memory_space<vmem>>
        %dma_start3A_78 = arith.constant 0 : i32
        %dma_start3A_79 = arith.constant 0 : i32
        %dma_start3A_80 = tpu.memref_slice %arg10[%dma_start3A_78, %dma_start3A_79] : memref<10240x128xf32, #tpu.memory_space<vmem_shared>> -> memref<10240x128xf32, #tpu.memory_space<vmem_shared>>
        tpu.enqueue_indirect_dma source(%arg9 : memref<128x128xf32, #tpu.memory_space<vmem>>) target(%dma_start3A_80 : memref<10240x128xf32, #tpu.memory_space<vmem_shared>>) offsets(%dma_start3A_77 : memref<128xi32, #tpu.memory_space<vmem>>) semaphore(%arg14 : memref<!tpu.dma_semaphore, #tpu.memory_space<semaphore_mem>>) {add = true}
        %add3A_81 = arith.constant 1 : i32
        %add3A_82 = arith.addi %scan3A_51, %add3A_81 : i32
        %lt3A = arith.constant 8 : i32
        %lt3A_83 = arith.cmpi slt, %add3A_82, %lt3A : i32
        %convert_element_type3A = arith.extui %lt3A_83 : i1 to i32
        %cond3A = arith.constant 0 : i32
        %cond3A_84 = arith.cmpi ne, %convert_element_type3A, %cond3A : i32
        scf.if %cond3A_84 {
          %dma_wait3A_91 = arith.constant 0 : i32
          %dma_wait3A_92 = tpu.memref_slice %arg7[%mul3A_53, %dma_wait3A_91] : memref<16x128xi32, #tpu.memory_space<vmem>> -> memref<1x128xi32, #tpu.memory_space<vmem>>
          %dma_wait3A_93 = tpu.memref_squeeze %dma_wait3A_92 : memref<1x128xi32, #tpu.memory_space<vmem>> -> memref<128xi32, #tpu.memory_space<vmem>>
          %dma_wait3A_94 = arith.constant 0 : i32
          %dma_wait3A_95 = arith.constant 0 : i32
          %dma_wait3A_96 = tpu.memref_slice %arg10[%dma_wait3A_94, %dma_wait3A_95] : memref<10240x128xf32, #tpu.memory_space<vmem_shared>> -> memref<10240x128xf32, #tpu.memory_space<vmem_shared>>
          tpu.wait_indirect_dma semaphore(%arg13 : memref<!tpu.dma_semaphore, #tpu.memory_space<semaphore_mem>>) src(%arg8 : memref<128x128xf32, #tpu.memory_space<vmem>>) dst(%dma_wait3A_96 : memref<10240x128xf32, #tpu.memory_space<vmem_shared>>)
          %add3A_97 = arith.constant 2 : i32
          %add3A_98 = arith.addi %mul3A_53, %add3A_97 : i32
          %dma_start3A_99 = arith.constant 0 : i32
          %dma_start3A_100 = tpu.memref_slice %arg6[%add3A_98, %dma_start3A_99] : memref<16x128xi32, #tpu.memory_space<vmem>> -> memref<1x128xi32, #tpu.memory_space<vmem>>
          %dma_start3A_101 = tpu.memref_squeeze %dma_start3A_100 : memref<1x128xi32, #tpu.memory_space<vmem>> -> memref<128xi32, #tpu.memory_space<vmem>>
          %dma_start3A_102 = arith.constant 0 : i32
          %dma_start3A_103 = arith.constant 0 : i32
          %dma_start3A_104 = tpu.memref_slice %arg2[%dma_start3A_102, %dma_start3A_103] : memref<20480x128xf32, #tpu.memory_space<hbm>> -> memref<20480x128xf32, #tpu.memory_space<hbm>>
          tpu.enqueue_indirect_dma source(%dma_start3A_104 : memref<20480x128xf32, #tpu.memory_space<hbm>>) target(%arg8 : memref<128x128xf32, #tpu.memory_space<vmem>>) offsets(%dma_start3A_101 : memref<128xi32, #tpu.memory_space<vmem>>) semaphore(%arg11 : memref<!tpu.dma_semaphore, #tpu.memory_space<semaphore_mem>>)
          %dma_wait3A_105 = arith.constant 0 : i32
          %dma_wait3A_106 = tpu.memref_slice %arg7[%add3A_74, %dma_wait3A_105] : memref<16x128xi32, #tpu.memory_space<vmem>> -> memref<1x128xi32, #tpu.memory_space<vmem>>
          %dma_wait3A_107 = tpu.memref_squeeze %dma_wait3A_106 : memref<1x128xi32, #tpu.memory_space<vmem>> -> memref<128xi32, #tpu.memory_space<vmem>>
          %dma_wait3A_108 = arith.constant 0 : i32
          %dma_wait3A_109 = arith.constant 0 : i32
          %dma_wait3A_110 = tpu.memref_slice %arg10[%dma_wait3A_108, %dma_wait3A_109] : memref<10240x128xf32, #tpu.memory_space<vmem_shared>> -> memref<10240x128xf32, #tpu.memory_space<vmem_shared>>
          tpu.wait_indirect_dma semaphore(%arg14 : memref<!tpu.dma_semaphore, #tpu.memory_space<semaphore_mem>>) src(%arg9 : memref<128x128xf32, #tpu.memory_space<vmem>>) dst(%dma_wait3A_110 : memref<10240x128xf32, #tpu.memory_space<vmem_shared>>)
          %add3A_111 = arith.constant 3 : i32
          %add3A_112 = arith.addi %mul3A_53, %add3A_111 : i32
          %dma_start3A_113 = arith.constant 0 : i32
          %dma_start3A_114 = tpu.memref_slice %arg6[%add3A_112, %dma_start3A_113] : memref<16x128xi32, #tpu.memory_space<vmem>> -> memref<1x128xi32, #tpu.memory_space<vmem>>
          %dma_start3A_115 = tpu.memref_squeeze %dma_start3A_114 : memref<1x128xi32, #tpu.memory_space<vmem>> -> memref<128xi32, #tpu.memory_space<vmem>>
          %dma_start3A_116 = arith.constant 0 : i32
          %dma_start3A_117 = arith.constant 0 : i32
          %dma_start3A_118 = tpu.memref_slice %arg2[%dma_start3A_116, %dma_start3A_117] : memref<20480x128xf32, #tpu.memory_space<hbm>> -> memref<20480x128xf32, #tpu.memory_space<hbm>>
          tpu.enqueue_indirect_dma source(%dma_start3A_118 : memref<20480x128xf32, #tpu.memory_space<hbm>>) target(%arg9 : memref<128x128xf32, #tpu.memory_space<vmem>>) offsets(%dma_start3A_115 : memref<128xi32, #tpu.memory_space<vmem>>) semaphore(%arg12 : memref<!tpu.dma_semaphore, #tpu.memory_space<semaphore_mem>>)
        } else {
        }
        %add3A_85 = arith.constant 1 : i32
        %add3A_86 = arith.addi %scan3A_51, %add3A_85 : i32
        %eq3A = arith.constant 8 : i32
        %eq3A_87 = arith.cmpi eq, %add3A_86, %eq3A : i32
        %convert_element_type3A_88 = arith.extui %eq3A_87 : i1 to i32
        %cond3A_89 = arith.constant 0 : i32
        %cond3A_90 = arith.cmpi ne, %convert_element_type3A_88, %cond3A_89 : i32
        scf.if %cond3A_90 {
          %dma_wait3A_91 = arith.constant 0 : i32
          %dma_wait3A_92 = tpu.memref_slice %arg7[%mul3A_53, %dma_wait3A_91] : memref<16x128xi32, #tpu.memory_space<vmem>> -> memref<1x128xi32, #tpu.memory_space<vmem>>
          %dma_wait3A_93 = tpu.memref_squeeze %dma_wait3A_92 : memref<1x128xi32, #tpu.memory_space<vmem>> -> memref<128xi32, #tpu.memory_space<vmem>>
          %dma_wait3A_94 = arith.constant 0 : i32
          %dma_wait3A_95 = arith.constant 0 : i32
          %dma_wait3A_96 = tpu.memref_slice %arg10[%dma_wait3A_94, %dma_wait3A_95] : memref<10240x128xf32, #tpu.memory_space<vmem_shared>> -> memref<10240x128xf32, #tpu.memory_space<vmem_shared>>
          tpu.wait_indirect_dma semaphore(%arg13 : memref<!tpu.dma_semaphore, #tpu.memory_space<semaphore_mem>>) src(%arg8 : memref<128x128xf32, #tpu.memory_space<vmem>>) dst(%dma_wait3A_96 : memref<10240x128xf32, #tpu.memory_space<vmem_shared>>)
          %dma_wait3A_97 = arith.constant 0 : i32
          %dma_wait3A_98 = tpu.memref_slice %arg7[%add3A_74, %dma_wait3A_97] : memref<16x128xi32, #tpu.memory_space<vmem>> -> memref<1x128xi32, #tpu.memory_space<vmem>>
          %dma_wait3A_99 = tpu.memref_squeeze %dma_wait3A_98 : memref<1x128xi32, #tpu.memory_space<vmem>> -> memref<128xi32, #tpu.memory_space<vmem>>
          %dma_wait3A_100 = arith.constant 0 : i32
          %dma_wait3A_101 = arith.constant 0 : i32
          %dma_wait3A_102 = tpu.memref_slice %arg10[%dma_wait3A_100, %dma_wait3A_101] : memref<10240x128xf32, #tpu.memory_space<vmem_shared>> -> memref<10240x128xf32, #tpu.memory_space<vmem_shared>>
          tpu.wait_indirect_dma semaphore(%arg14 : memref<!tpu.dma_semaphore, #tpu.memory_space<semaphore_mem>>) src(%arg9 : memref<128x128xf32, #tpu.memory_space<vmem>>) dst(%dma_wait3A_102 : memref<10240x128xf32, #tpu.memory_space<vmem_shared>>)
        } else {
        }
      }
      %scan3A_50 = arith.constant 8 : i32
    }
    %scan3A_12 = arith.constant 5 : i32
    %barrier3A_13 = arith.constant 0 : index
    tpu.barrier barrier_id(%barrier3A_13)
    %mul3A_14 = arith.constant 640 : i32
    %mul3A_15 = arith.muli %arg1, %mul3A_14 : i32
    %mul3A_16 = arith.constant 10240 : i32
    %mul3A_17 = arith.muli %arg0, %mul3A_16 : i32
    %mul3A_18 = arith.constant 640 : i32
    %mul3A_19 = arith.muli %arg1, %mul3A_18 : i32
    %add3A_20 = arith.addi %mul3A_17, %mul3A_19 : i32
    "tpu.region"() ({
      %run_scoped3A = tpu.sem_alloc : memref<!tpu.dma_semaphore, #tpu.memory_space<semaphore_mem>>
      %dma_start3A = arith.constant 0 : i32
      %dma_start3A_21 = tpu.memref_slice %arg5[%add3A_20, %dma_start3A] : memref<20480x128xf32, #tpu.memory_space<hbm>> -> memref<640x128xf32, #tpu.memory_space<hbm>>
      %dma_start3A_22 = arith.constant 0 : i32
      %dma_start3A_23 = tpu.memref_slice %arg10[%mul3A_15, %dma_start3A_22] : memref<10240x128xf32, #tpu.memory_space<vmem_shared>> -> memref<640x128xf32, #tpu.memory_space<vmem_shared>>
      tpu.enqueue_dma source(%dma_start3A_23 : memref<640x128xf32, #tpu.memory_space<vmem_shared>>) target(%dma_start3A_21 : memref<640x128xf32, #tpu.memory_space<hbm>>) target_semaphore(%run_scoped3A : memref<!tpu.dma_semaphore, #tpu.memory_space<semaphore_mem>>)
      %dma_wait3A = arith.constant 0 : i32
      %dma_wait3A_24 = tpu.memref_slice %arg5[%add3A_20, %dma_wait3A] : memref<20480x128xf32, #tpu.memory_space<hbm>> -> memref<640x128xf32, #tpu.memory_space<hbm>>
      %dma_wait3A_25 = arith.constant 0 : i32
      %dma_wait3A_26 = tpu.memref_slice %arg10[%mul3A_15, %dma_wait3A_25] : memref<10240x128xf32, #tpu.memory_space<vmem_shared>> -> memref<640x128xf32, #tpu.memory_space<vmem_shared>>
      tpu.wait_dma2 semaphore(%run_scoped3A : memref<!tpu.dma_semaphore, #tpu.memory_space<semaphore_mem>>) src(%dma_wait3A_26 : memref<640x128xf32, #tpu.memory_space<vmem_shared>>) dst(%dma_wait3A_24 : memref<640x128xf32, #tpu.memory_space<hbm>>)
      tpu.yield
    }) : () -> ()
    return
  }
}

#map = affine_map<(d0, d1) -> (0, 0)>
module attributes {stable_mosaic.version = 14 : i64} {
  func.func @body(%arg0: i32, %arg1: i32, %arg2: memref<20480x128xf32, #tpu.memory_space<hbm>>, %arg3: memref<5120x128xi32, #tpu.memory_space<hbm>>, %arg4: memref<5120x128xi32, #tpu.memory_space<hbm>>, %arg5: memref<20480x128xf32, #tpu.memory_space<hbm>>, %arg6: memref<16x128xi32, #tpu.memory_space<vmem>>, %arg7: memref<16x128xi32, #tpu.memory_space<vmem>>, %arg8: memref<128x128xf32, #tpu.memory_space<vmem>>, %arg9: memref<128x128xf32, #tpu.memory_space<vmem>>, %arg10: memref<10240x128xf32, #tpu.memory_space<vmem_shared>>, %arg11: memref<!tpu.dma_semaphore, #tpu.memory_space<semaphore_mem>>, %arg12: memref<!tpu.dma_semaphore, #tpu.memory_space<semaphore_mem>>, %arg13: memref<!tpu.dma_semaphore, #tpu.memory_space<semaphore_mem>>, %arg14: memref<!tpu.dma_semaphore, #tpu.memory_space<semaphore_mem>>) attributes {dimension_semantics = [#tpu.dimension_semantics<core_parallel>, #tpu.dimension_semantics<subcore_parallel>], iteration_bounds = array<i64: 2, 16>, scalar_prefetch = 0 : i64, scratch_operands = 9 : i64, tpu.core_type = #tpu.core_type<sc_vector_subcore>, window_params = [{transform_indices = #map}, {transform_indices = #map}, {transform_indices = #map}, {transform_indices = #map}]} {
    %mul3A = arith.constant 16 : i32
    %mul3A_0 = arith.muli %arg0, %mul3A : i32
    %add3A = arith.addi %mul3A_0, %arg1 : i32
    %mul3A_1 = arith.constant 10240 : i32
    %mul3A_2 = arith.muli %arg0, %mul3A_1 : i32
    %mul3A_3 = arith.constant 640 : i32
    %mul3A_4 = arith.muli %arg1, %mul3A_3 : i32
    %add3A_5 = arith.addi %mul3A_2, %mul3A_4 : i32
    %mul3A_6 = arith.constant 640 : i32
    %mul3A_7 = arith.muli %arg1, %mul3A_6 : i32
    "tpu.region"() ({
      %run_scoped3A = tpu.sem_alloc : memref<!tpu.dma_semaphore, #tpu.memory_space<semaphore_mem>>
      %dma_start3A = arith.constant 0 : i32
      %dma_start3A_21 = tpu.memref_slice %arg10[%mul3A_7, %dma_start3A] : memref<10240x128xf32, #tpu.memory_space<vmem_shared>> -> memref<640x128xf32, #tpu.memory_space<vmem_shared>>
      %dma_start3A_22 = arith.constant 0 : i32
      %dma_start3A_23 = tpu.memref_slice %arg2[%add3A_5, %dma_start3A_22] : memref<20480x128xf32, #tpu.memory_space<hbm>> -> memref<640x128xf32, #tpu.memory_space<hbm>>
      tpu.enqueue_dma source(%dma_start3A_23 : memref<640x128xf32, #tpu.memory_space<hbm>>) target(%dma_start3A_21 : memref<640x128xf32, #tpu.memory_space<vmem_shared>>) target_semaphore(%run_scoped3A : memref<!tpu.dma_semaphore, #tpu.memory_space<semaphore_mem>>)
      %dma_wait3A = arith.constant 0 : i32
      %dma_wait3A_24 = tpu.memref_slice %arg10[%mul3A_7, %dma_wait3A] : memref<10240x128xf32, #tpu.memory_space<vmem_shared>> -> memref<640x128xf32, #tpu.memory_space<vmem_shared>>
      %dma_wait3A_25 = arith.constant 0 : i32
      %dma_wait3A_26 = tpu.memref_slice %arg2[%add3A_5, %dma_wait3A_25] : memref<20480x128xf32, #tpu.memory_space<hbm>> -> memref<640x128xf32, #tpu.memory_space<hbm>>
      tpu.wait_dma2 semaphore(%run_scoped3A : memref<!tpu.dma_semaphore, #tpu.memory_space<semaphore_mem>>) src(%dma_wait3A_26 : memref<640x128xf32, #tpu.memory_space<hbm>>) dst(%dma_wait3A_24 : memref<640x128xf32, #tpu.memory_space<vmem_shared>>)
      tpu.yield
    }) : () -> ()
    %barrier3A = arith.constant 0 : index
    tpu.barrier barrier_id(%barrier3A)
    %scan3A = arith.constant 0 : i32
    %scan3A_8 = arith.constant 0 : i32
    %scan3A_9 = arith.constant 10 : i32
    %scan3A_10 = arith.addi %scan3A_8, %scan3A_9 : i32
    %scan3A_11 = arith.constant 1 : i32
    scf.for %scan3A_21 = %scan3A_8 to %scan3A_10 step %scan3A_11  : i32 {
      %mul3A_22 = arith.constant 160 : i32
      %mul3A_23 = arith.muli %add3A, %mul3A_22 : i32
      %mul3A_24 = arith.constant 16 : i32
      %mul3A_25 = arith.muli %scan3A_21, %mul3A_24 : i32
      %add3A_26 = arith.addi %mul3A_23, %mul3A_25 : i32
      "tpu.region"() ({
        %run_scoped3A = tpu.sem_alloc : memref<!tpu.dma_semaphore, #tpu.memory_space<semaphore_mem>>
        %dma_start3A_51 = arith.constant 0 : i32
        %dma_start3A_52 = tpu.memref_slice %arg3[%add3A_26, %dma_start3A_51] : memref<5120x128xi32, #tpu.memory_space<hbm>> -> memref<16x128xi32, #tpu.memory_space<hbm>>
        %dma_start3A_53 = arith.constant 0 : i32
        %dma_start3A_54 = tpu.memref_slice %arg3[%add3A_26, %dma_start3A_53] : memref<5120x128xi32, #tpu.memory_space<hbm>> -> memref<16x128xi32, #tpu.memory_space<hbm>>
        tpu.enqueue_dma source(%dma_start3A_54 : memref<16x128xi32, #tpu.memory_space<hbm>>) target(%arg6 : memref<16x128xi32, #tpu.memory_space<vmem>>) target_semaphore(%run_scoped3A : memref<!tpu.dma_semaphore, #tpu.memory_space<semaphore_mem>>)
        %dma_wait3A = arith.constant 0 : i32
        %dma_wait3A_55 = tpu.memref_slice %arg3[%add3A_26, %dma_wait3A] : memref<5120x128xi32, #tpu.memory_space<hbm>> -> memref<16x128xi32, #tpu.memory_space<hbm>>
        %dma_wait3A_56 = arith.constant 0 : i32
        %dma_wait3A_57 = tpu.memref_slice %arg3[%add3A_26, %dma_wait3A_56] : memref<5120x128xi32, #tpu.memory_space<hbm>> -> memref<16x128xi32, #tpu.memory_space<hbm>>
        tpu.wait_dma2 semaphore(%run_scoped3A : memref<!tpu.dma_semaphore, #tpu.memory_space<semaphore_mem>>) src(%dma_wait3A_57 : memref<16x128xi32, #tpu.memory_space<hbm>>) dst(%arg6 : memref<16x128xi32, #tpu.memory_space<vmem>>)
        tpu.yield
      }) : () -> ()
      %mul3A_27 = arith.constant 160 : i32
      %mul3A_28 = arith.muli %add3A, %mul3A_27 : i32
      %mul3A_29 = arith.constant 16 : i32
      %mul3A_30 = arith.muli %scan3A_21, %mul3A_29 : i32
      %add3A_31 = arith.addi %mul3A_28, %mul3A_30 : i32
      "tpu.region"() ({
        %run_scoped3A = tpu.sem_alloc : memref<!tpu.dma_semaphore, #tpu.memory_space<semaphore_mem>>
        %dma_start3A_51 = arith.constant 0 : i32
        %dma_start3A_52 = tpu.memref_slice %arg4[%add3A_31, %dma_start3A_51] : memref<5120x128xi32, #tpu.memory_space<hbm>> -> memref<16x128xi32, #tpu.memory_space<hbm>>
        %dma_start3A_53 = arith.constant 0 : i32
        %dma_start3A_54 = tpu.memref_slice %arg4[%add3A_31, %dma_start3A_53] : memref<5120x128xi32, #tpu.memory_space<hbm>> -> memref<16x128xi32, #tpu.memory_space<hbm>>
        tpu.enqueue_dma source(%dma_start3A_54 : memref<16x128xi32, #tpu.memory_space<hbm>>) target(%arg7 : memref<16x128xi32, #tpu.memory_space<vmem>>) target_semaphore(%run_scoped3A : memref<!tpu.dma_semaphore, #tpu.memory_space<semaphore_mem>>)
        %dma_wait3A = arith.constant 0 : i32
        %dma_wait3A_55 = tpu.memref_slice %arg4[%add3A_31, %dma_wait3A] : memref<5120x128xi32, #tpu.memory_space<hbm>> -> memref<16x128xi32, #tpu.memory_space<hbm>>
        %dma_wait3A_56 = arith.constant 0 : i32
        %dma_wait3A_57 = tpu.memref_slice %arg4[%add3A_31, %dma_wait3A_56] : memref<5120x128xi32, #tpu.memory_space<hbm>> -> memref<16x128xi32, #tpu.memory_space<hbm>>
        tpu.wait_dma2 semaphore(%run_scoped3A : memref<!tpu.dma_semaphore, #tpu.memory_space<semaphore_mem>>) src(%dma_wait3A_57 : memref<16x128xi32, #tpu.memory_space<hbm>>) dst(%arg7 : memref<16x128xi32, #tpu.memory_space<vmem>>)
        tpu.yield
      }) : () -> ()
      %dma_start3A = arith.constant 0 : i32
      %dma_start3A_32 = arith.constant 0 : i32
      %dma_start3A_33 = tpu.memref_slice %arg6[%dma_start3A, %dma_start3A_32] : memref<16x128xi32, #tpu.memory_space<vmem>> -> memref<1x128xi32, #tpu.memory_space<vmem>>
      %dma_start3A_34 = tpu.memref_squeeze %dma_start3A_33 : memref<1x128xi32, #tpu.memory_space<vmem>> -> memref<128xi32, #tpu.memory_space<vmem>>
      %dma_start3A_35 = arith.constant 0 : i32
      %dma_start3A_36 = arith.constant 0 : i32
      %dma_start3A_37 = tpu.memref_slice %arg2[%dma_start3A_35, %dma_start3A_36] : memref<20480x128xf32, #tpu.memory_space<hbm>> -> memref<20480x128xf32, #tpu.memory_space<hbm>>
      tpu.enqueue_indirect_dma source(%dma_start3A_37 : memref<20480x128xf32, #tpu.memory_space<hbm>>) target(%arg8 : memref<128x128xf32, #tpu.memory_space<vmem>>) offsets(%dma_start3A_34 : memref<128xi32, #tpu.memory_space<vmem>>) semaphore(%arg11 : memref<!tpu.dma_semaphore, #tpu.memory_space<semaphore_mem>>)
      %dma_start3A_38 = arith.constant 1 : i32
      %dma_start3A_39 = arith.constant 0 : i32
      %dma_start3A_40 = tpu.memref_slice %arg6[%dma_start3A_38, %dma_start3A_39] : memref<16x128xi32, #tpu.memory_space<vmem>> -> memref<1x128xi32, #tpu.memory_space<vmem>>
      %dma_start3A_41 = tpu.memref_squeeze %dma_start3A_40 : memref<1x128xi32, #tpu.memory_space<vmem>> -> memref<128xi32, #tpu.memory_space<vmem>>
      %dma_start3A_42 = arith.constant 0 : i32
      %dma_start3A_43 = arith.constant 0 : i32
      %dma_start3A_44 = tpu.memref_slice %arg2[%dma_start3A_42, %dma_start3A_43] : memref<20480x128xf32, #tpu.memory_space<hbm>> -> memref<20480x128xf32, #tpu.memory_space<hbm>>
      tpu.enqueue_indirect_dma source(%dma_start3A_44 : memref<20480x128xf32, #tpu.memory_space<hbm>>) target(%arg9 : memref<128x128xf32, #tpu.memory_space<vmem>>) offsets(%dma_start3A_41 : memref<128xi32, #tpu.memory_space<vmem>>) semaphore(%arg12 : memref<!tpu.dma_semaphore, #tpu.memory_space<semaphore_mem>>)
      %scan3A_45 = arith.constant 0 : i32
      %scan3A_46 = arith.constant 0 : i32
      %scan3A_47 = arith.constant 8 : i32
      %scan3A_48 = arith.addi %scan3A_46, %scan3A_47 : i32
      %scan3A_49 = arith.constant 1 : i32
      scf.for %scan3A_51 = %scan3A_46 to %scan3A_48 step %scan3A_49  : i32 {
        %mul3A_52 = arith.constant 2 : i32
        %mul3A_53 = arith.muli %scan3A_51, %mul3A_52 : i32
        %dma_wait3A = arith.constant 0 : i32
        %dma_wait3A_54 = tpu.memref_slice %arg6[%mul3A_53, %dma_wait3A] : memref<16x128xi32, #tpu.memory_space<vmem>> -> memref<1x128xi32, #tpu.memory_space<vmem>>
        %dma_wait3A_55 = tpu.memref_squeeze %dma_wait3A_54 : memref<1x128xi32, #tpu.memory_space<vmem>> -> memref<128xi32, #tpu.memory_space<vmem>>
        %dma_wait3A_56 = arith.constant 0 : i32
        %dma_wait3A_57 = arith.constant 0 : i32
        %dma_wait3A_58 = tpu.memref_slice %arg2[%dma_wait3A_56, %dma_wait3A_57] : memref<20480x128xf32, #tpu.memory_space<hbm>> -> memref<20480x128xf32, #tpu.memory_space<hbm>>
        tpu.wait_indirect_dma semaphore(%arg11 : memref<!tpu.dma_semaphore, #tpu.memory_space<semaphore_mem>>) src(%dma_wait3A_58 : memref<20480x128xf32, #tpu.memory_space<hbm>>) dst(%arg8 : memref<128x128xf32, #tpu.memory_space<vmem>>)
        %dma_start3A_59 = arith.constant 0 : i32
        %dma_start3A_60 = tpu.memref_slice %arg7[%mul3A_53, %dma_start3A_59] : memref<16x128xi32, #tpu.memory_space<vmem>> -> memref<1x128xi32, #tpu.memory_space<vmem>>
        %dma_start3A_61 = tpu.memref_squeeze %dma_start3A_60 : memref<1x128xi32, #tpu.memory_space<vmem>> -> memref<128xi32, #tpu.memory_space<vmem>>
        %dma_start3A_62 = arith.constant 0 : i32
        %dma_start3A_63 = arith.constant 0 : i32
        %dma_start3A_64 = tpu.memref_slice %arg10[%dma_start3A_62, %dma_start3A_63] : memref<10240x128xf32, #tpu.memory_space<vmem_shared>> -> memref<10240x128xf32, #tpu.memory_space<vmem_shared>>
        tpu.enqueue_indirect_dma source(%arg8 : memref<128x128xf32, #tpu.memory_space<vmem>>) target(%dma_start3A_64 : memref<10240x128xf32, #tpu.memory_space<vmem_shared>>) offsets(%dma_start3A_61 : memref<128xi32, #tpu.memory_space<vmem>>) semaphore(%arg13 : memref<!tpu.dma_semaphore, #tpu.memory_space<semaphore_mem>>) {add = true}
        %add3A_65 = arith.constant 1 : i32
        %add3A_66 = arith.addi %mul3A_53, %add3A_65 : i32
        %dma_wait3A_67 = arith.constant 0 : i32
        %dma_wait3A_68 = tpu.memref_slice %arg6[%add3A_66, %dma_wait3A_67] : memref<16x128xi32, #tpu.memory_space<vmem>> -> memref<1x128xi32, #tpu.memory_space<vmem>>
        %dma_wait3A_69 = tpu.memref_squeeze %dma_wait3A_68 : memref<1x128xi32, #tpu.memory_space<vmem>> -> memref<128xi32, #tpu.memory_space<vmem>>
        %dma_wait3A_70 = arith.constant 0 : i32
        %dma_wait3A_71 = arith.constant 0 : i32
        %dma_wait3A_72 = tpu.memref_slice %arg2[%dma_wait3A_70, %dma_wait3A_71] : memref<20480x128xf32, #tpu.memory_space<hbm>> -> memref<20480x128xf32, #tpu.memory_space<hbm>>
        tpu.wait_indirect_dma semaphore(%arg12 : memref<!tpu.dma_semaphore, #tpu.memory_space<semaphore_mem>>) src(%dma_wait3A_72 : memref<20480x128xf32, #tpu.memory_space<hbm>>) dst(%arg9 : memref<128x128xf32, #tpu.memory_space<vmem>>)
        %add3A_73 = arith.constant 1 : i32
        %add3A_74 = arith.addi %mul3A_53, %add3A_73 : i32
        %dma_start3A_75 = arith.constant 0 : i32
        %dma_start3A_76 = tpu.memref_slice %arg7[%add3A_74, %dma_start3A_75] : memref<16x128xi32, #tpu.memory_space<vmem>> -> memref<1x128xi32, #tpu.memory_space<vmem>>
        %dma_start3A_77 = tpu.memref_squeeze %dma_start3A_76 : memref<1x128xi32, #tpu.memory_space<vmem>> -> memref<128xi32, #tpu.memory_space<vmem>>
        %dma_start3A_78 = arith.constant 0 : i32
        %dma_start3A_79 = arith.constant 0 : i32
        %dma_start3A_80 = tpu.memref_slice %arg10[%dma_start3A_78, %dma_start3A_79] : memref<10240x128xf32, #tpu.memory_space<vmem_shared>> -> memref<10240x128xf32, #tpu.memory_space<vmem_shared>>
        tpu.enqueue_indirect_dma source(%arg9 : memref<128x128xf32, #tpu.memory_space<vmem>>) target(%dma_start3A_80 : memref<10240x128xf32, #tpu.memory_space<vmem_shared>>) offsets(%dma_start3A_77 : memref<128xi32, #tpu.memory_space<vmem>>) semaphore(%arg14 : memref<!tpu.dma_semaphore, #tpu.memory_space<semaphore_mem>>) {add = true}
        %add3A_81 = arith.constant 1 : i32
        %add3A_82 = arith.addi %scan3A_51, %add3A_81 : i32
        %lt3A = arith.constant 8 : i32
        %lt3A_83 = arith.cmpi slt, %add3A_82, %lt3A : i32
        %convert_element_type3A = arith.extui %lt3A_83 : i1 to i32
        %cond3A = arith.constant 0 : i32
        %cond3A_84 = arith.cmpi ne, %convert_element_type3A, %cond3A : i32
        scf.if %cond3A_84 {
          %dma_wait3A_91 = arith.constant 0 : i32
          %dma_wait3A_92 = tpu.memref_slice %arg7[%mul3A_53, %dma_wait3A_91] : memref<16x128xi32, #tpu.memory_space<vmem>> -> memref<1x128xi32, #tpu.memory_space<vmem>>
          %dma_wait3A_93 = tpu.memref_squeeze %dma_wait3A_92 : memref<1x128xi32, #tpu.memory_space<vmem>> -> memref<128xi32, #tpu.memory_space<vmem>>
          %dma_wait3A_94 = arith.constant 0 : i32
          %dma_wait3A_95 = arith.constant 0 : i32
          %dma_wait3A_96 = tpu.memref_slice %arg10[%dma_wait3A_94, %dma_wait3A_95] : memref<10240x128xf32, #tpu.memory_space<vmem_shared>> -> memref<10240x128xf32, #tpu.memory_space<vmem_shared>>
          tpu.wait_indirect_dma semaphore(%arg13 : memref<!tpu.dma_semaphore, #tpu.memory_space<semaphore_mem>>) src(%arg8 : memref<128x128xf32, #tpu.memory_space<vmem>>) dst(%dma_wait3A_96 : memref<10240x128xf32, #tpu.memory_space<vmem_shared>>)
          %add3A_97 = arith.constant 2 : i32
          %add3A_98 = arith.addi %mul3A_53, %add3A_97 : i32
          %dma_start3A_99 = arith.constant 0 : i32
          %dma_start3A_100 = tpu.memref_slice %arg6[%add3A_98, %dma_start3A_99] : memref<16x128xi32, #tpu.memory_space<vmem>> -> memref<1x128xi32, #tpu.memory_space<vmem>>
          %dma_start3A_101 = tpu.memref_squeeze %dma_start3A_100 : memref<1x128xi32, #tpu.memory_space<vmem>> -> memref<128xi32, #tpu.memory_space<vmem>>
          %dma_start3A_102 = arith.constant 0 : i32
          %dma_start3A_103 = arith.constant 0 : i32
          %dma_start3A_104 = tpu.memref_slice %arg2[%dma_start3A_102, %dma_start3A_103] : memref<20480x128xf32, #tpu.memory_space<hbm>> -> memref<20480x128xf32, #tpu.memory_space<hbm>>
          tpu.enqueue_indirect_dma source(%dma_start3A_104 : memref<20480x128xf32, #tpu.memory_space<hbm>>) target(%arg8 : memref<128x128xf32, #tpu.memory_space<vmem>>) offsets(%dma_start3A_101 : memref<128xi32, #tpu.memory_space<vmem>>) semaphore(%arg11 : memref<!tpu.dma_semaphore, #tpu.memory_space<semaphore_mem>>)
          %dma_wait3A_105 = arith.constant 0 : i32
          %dma_wait3A_106 = tpu.memref_slice %arg7[%add3A_74, %dma_wait3A_105] : memref<16x128xi32, #tpu.memory_space<vmem>> -> memref<1x128xi32, #tpu.memory_space<vmem>>
          %dma_wait3A_107 = tpu.memref_squeeze %dma_wait3A_106 : memref<1x128xi32, #tpu.memory_space<vmem>> -> memref<128xi32, #tpu.memory_space<vmem>>
          %dma_wait3A_108 = arith.constant 0 : i32
          %dma_wait3A_109 = arith.constant 0 : i32
          %dma_wait3A_110 = tpu.memref_slice %arg10[%dma_wait3A_108, %dma_wait3A_109] : memref<10240x128xf32, #tpu.memory_space<vmem_shared>> -> memref<10240x128xf32, #tpu.memory_space<vmem_shared>>
          tpu.wait_indirect_dma semaphore(%arg14 : memref<!tpu.dma_semaphore, #tpu.memory_space<semaphore_mem>>) src(%arg9 : memref<128x128xf32, #tpu.memory_space<vmem>>) dst(%dma_wait3A_110 : memref<10240x128xf32, #tpu.memory_space<vmem_shared>>)
          %add3A_111 = arith.constant 3 : i32
          %add3A_112 = arith.addi %mul3A_53, %add3A_111 : i32
          %dma_start3A_113 = arith.constant 0 : i32
          %dma_start3A_114 = tpu.memref_slice %arg6[%add3A_112, %dma_start3A_113] : memref<16x128xi32, #tpu.memory_space<vmem>> -> memref<1x128xi32, #tpu.memory_space<vmem>>
          %dma_start3A_115 = tpu.memref_squeeze %dma_start3A_114 : memref<1x128xi32, #tpu.memory_space<vmem>> -> memref<128xi32, #tpu.memory_space<vmem>>
          %dma_start3A_116 = arith.constant 0 : i32
          %dma_start3A_117 = arith.constant 0 : i32
          %dma_start3A_118 = tpu.memref_slice %arg2[%dma_start3A_116, %dma_start3A_117] : memref<20480x128xf32, #tpu.memory_space<hbm>> -> memref<20480x128xf32, #tpu.memory_space<hbm>>
          tpu.enqueue_indirect_dma source(%dma_start3A_118 : memref<20480x128xf32, #tpu.memory_space<hbm>>) target(%arg9 : memref<128x128xf32, #tpu.memory_space<vmem>>) offsets(%dma_start3A_115 : memref<128xi32, #tpu.memory_space<vmem>>) semaphore(%arg12 : memref<!tpu.dma_semaphore, #tpu.memory_space<semaphore_mem>>)
        } else {
        }
        %add3A_85 = arith.constant 1 : i32
        %add3A_86 = arith.addi %scan3A_51, %add3A_85 : i32
        %eq3A = arith.constant 8 : i32
        %eq3A_87 = arith.cmpi eq, %add3A_86, %eq3A : i32
        %convert_element_type3A_88 = arith.extui %eq3A_87 : i1 to i32
        %cond3A_89 = arith.constant 0 : i32
        %cond3A_90 = arith.cmpi ne, %convert_element_type3A_88, %cond3A_89 : i32
        scf.if %cond3A_90 {
          %dma_wait3A_91 = arith.constant 0 : i32
          %dma_wait3A_92 = tpu.memref_slice %arg7[%mul3A_53, %dma_wait3A_91] : memref<16x128xi32, #tpu.memory_space<vmem>> -> memref<1x128xi32, #tpu.memory_space<vmem>>
          %dma_wait3A_93 = tpu.memref_squeeze %dma_wait3A_92 : memref<1x128xi32, #tpu.memory_space<vmem>> -> memref<128xi32, #tpu.memory_space<vmem>>
          %dma_wait3A_94 = arith.constant 0 : i32
          %dma_wait3A_95 = arith.constant 0 : i32
          %dma_wait3A_96 = tpu.memref_slice %arg10[%dma_wait3A_94, %dma_wait3A_95] : memref<10240x128xf32, #tpu.memory_space<vmem_shared>> -> memref<10240x128xf32, #tpu.memory_space<vmem_shared>>
          tpu.wait_indirect_dma semaphore(%arg13 : memref<!tpu.dma_semaphore, #tpu.memory_space<semaphore_mem>>) src(%arg8 : memref<128x128xf32, #tpu.memory_space<vmem>>) dst(%dma_wait3A_96 : memref<10240x128xf32, #tpu.memory_space<vmem_shared>>)
          %dma_wait3A_97 = arith.constant 0 : i32
          %dma_wait3A_98 = tpu.memref_slice %arg7[%add3A_74, %dma_wait3A_97] : memref<16x128xi32, #tpu.memory_space<vmem>> -> memref<1x128xi32, #tpu.memory_space<vmem>>
          %dma_wait3A_99 = tpu.memref_squeeze %dma_wait3A_98 : memref<1x128xi32, #tpu.memory_space<vmem>> -> memref<128xi32, #tpu.memory_space<vmem>>
          %dma_wait3A_100 = arith.constant 0 : i32
          %dma_wait3A_101 = arith.constant 0 : i32
          %dma_wait3A_102 = tpu.memref_slice %arg10[%dma_wait3A_100, %dma_wait3A_101] : memref<10240x128xf32, #tpu.memory_space<vmem_shared>> -> memref<10240x128xf32, #tpu.memory_space<vmem_shared>>
          tpu.wait_indirect_dma semaphore(%arg14 : memref<!tpu.dma_semaphore, #tpu.memory_space<semaphore_mem>>) src(%arg9 : memref<128x128xf32, #tpu.memory_space<vmem>>) dst(%dma_wait3A_102 : memref<10240x128xf32, #tpu.memory_space<vmem_shared>>)
        } else {
        }
      }
      %scan3A_50 = arith.constant 8 : i32
    }
    %scan3A_12 = arith.constant 10 : i32
    %barrier3A_13 = arith.constant 0 : index
    tpu.barrier barrier_id(%barrier3A_13)
    %mul3A_14 = arith.constant 640 : i32
    %mul3A_15 = arith.muli %arg1, %mul3A_14 : i32
    %mul3A_16 = arith.constant 10240 : i32
    %mul3A_17 = arith.muli %arg0, %mul3A_16 : i32
    %mul3A_18 = arith.constant 640 : i32
    %mul3A_19 = arith.muli %arg1, %mul3A_18 : i32
    %add3A_20 = arith.addi %mul3A_17, %mul3A_19 : i32
    "tpu.region"() ({
      %run_scoped3A = tpu.sem_alloc : memref<!tpu.dma_semaphore, #tpu.memory_space<semaphore_mem>>
      %dma_start3A = arith.constant 0 : i32
      %dma_start3A_21 = tpu.memref_slice %arg5[%add3A_20, %dma_start3A] : memref<20480x128xf32, #tpu.memory_space<hbm>> -> memref<640x128xf32, #tpu.memory_space<hbm>>
      %dma_start3A_22 = arith.constant 0 : i32
      %dma_start3A_23 = tpu.memref_slice %arg10[%mul3A_15, %dma_start3A_22] : memref<10240x128xf32, #tpu.memory_space<vmem_shared>> -> memref<640x128xf32, #tpu.memory_space<vmem_shared>>
      tpu.enqueue_dma source(%dma_start3A_23 : memref<640x128xf32, #tpu.memory_space<vmem_shared>>) target(%dma_start3A_21 : memref<640x128xf32, #tpu.memory_space<hbm>>) target_semaphore(%run_scoped3A : memref<!tpu.dma_semaphore, #tpu.memory_space<semaphore_mem>>)
      %dma_wait3A = arith.constant 0 : i32
      %dma_wait3A_24 = tpu.memref_slice %arg5[%add3A_20, %dma_wait3A] : memref<20480x128xf32, #tpu.memory_space<hbm>> -> memref<640x128xf32, #tpu.memory_space<hbm>>
      %dma_wait3A_25 = arith.constant 0 : i32
      %dma_wait3A_26 = tpu.memref_slice %arg10[%mul3A_15, %dma_wait3A_25] : memref<10240x128xf32, #tpu.memory_space<vmem_shared>> -> memref<640x128xf32, #tpu.memory_space<vmem_shared>>
      tpu.wait_dma2 semaphore(%run_scoped3A : memref<!tpu.dma_semaphore, #tpu.memory_space<semaphore_mem>>) src(%dma_wait3A_26 : memref<640x128xf32, #tpu.memory_space<vmem_shared>>) dst(%dma_wait3A_24 : memref<640x128xf32, #tpu.memory_space<hbm>>)
      tpu.yield
    }) : () -> ()
    return
  }
}

module attributes {stable_mosaic.version = 14 : i64} {
  func.func @_tcm_body(%arg0: i32, %arg1: memref<512x128xf32, #tpu.memory_space<vmem>>, %arg2: memref<128x256xf32, #tpu.memory_space<vmem>>, %arg3: memref<512x256xf32, #tpu.memory_space<vmem>>) attributes {dimension_semantics = [#tpu.dimension_semantics<arbitrary>], iteration_bounds = array<i64: 20>, scalar_prefetch = 0 : i64, scratch_operands = 0 : i64, tpu.core_type = #tpu.core_type<tc>, window_params = [{transform_indices = @transform_0, window_bounds = array<i64: 512, 128>}, {pipeline_mode = #tpu.pipeline_mode<synchronous>, transform_indices = @transform_1, window_bounds = array<i64: 128, 256>}, {transform_indices = @transform_2, window_bounds = array<i64: 512, 256>}]} {
    %get3A = arith.constant 0 : index
    %get3A_0 = arith.constant 0 : index
    %get3A_1 = vector.load %arg1[%get3A, %get3A_0] : memref<512x128xf32, #tpu.memory_space<vmem>>, vector<512x128xf32>
    %get3A_2 = arith.constant 0 : index
    %get3A_3 = arith.constant 0 : index
    %get3A_4 = vector.load %arg2[%get3A_2, %get3A_3] : memref<128x256xf32, #tpu.memory_space<vmem>>, vector<128x256xf32>
    %dot_general3A = arith.constant dense<0.000000e+00> : vector<512x256xf32>
    %dot_general3A_5 = tpu.matmul %get3A_1, %get3A_4, %dot_general3A {dimension_numbers = #tpu.dot_dimension_numbers<[1], [0], [0], [1], [0, 0, 1, 1], [], []>, transpose_lhs_hint = false} : vector<512x128xf32>, vector<128x256xf32>, vector<512x256xf32> -> vector<512x256xf32>
    %swap3A = arith.constant 0 : index
    %swap3A_6 = arith.constant 0 : index
    %swap3A_7 = vector.load %arg3[%swap3A, %swap3A_6] : memref<512x256xf32, #tpu.memory_space<vmem>>, vector<512x256xf32>
    tpu.vector_store %arg3[%swap3A, %swap3A_6], %dot_general3A_5 {strides = array<i32>} : memref<512x256xf32, #tpu.memory_space<vmem>>, vector<512x256xf32>,
    return
  }
  func.func @transform_0(%arg0: i32) -> (i32, i32) {
    %c0_i32 = arith.constant 0 : i32
    %c0_i32_0 = arith.constant 0 : i32
    return %arg0, %c0_i32 : i32, i32
  }
  func.func @transform_1(%arg0: i32) -> (i32, i32) {
    %c0_i32 = arith.constant 0 : i32
    %c0_i32_0 = arith.constant 0 : i32
    %c0_i32_1 = arith.constant 0 : i32
    return %c0_i32, %c0_i32_0 : i32, i32
  }
  func.func @transform_2(%arg0: i32) -> (i32, i32) {
    %c0_i32 = arith.constant 0 : i32
    %c0_i32_0 = arith.constant 0 : i32
    return %arg0, %c0_i32 : i32, i32
  }
}

module attributes {stable_mosaic.version = 14 : i64} {
  func.func @_tca_body(%arg0: i32, %arg1: memref<512x256xf32, #tpu.memory_space<vmem>>, %arg2: memref<2x512x128xf32, #tpu.memory_space<vmem>>, %arg3: memref<2x512x128xf32, #tpu.memory_space<vmem>>, %arg4: memref<512x1xf32, #tpu.memory_space<vmem>>) attributes {dimension_semantics = [#tpu.dimension_semantics<arbitrary>], iteration_bounds = array<i64: 20>, scalar_prefetch = 0 : i64, scratch_operands = 0 : i64, tpu.core_type = #tpu.core_type<tc>, window_params = [{transform_indices = @transform_0, window_bounds = array<i64: 512, 256>}, {transform_indices = @transform_1, window_bounds = array<i64: 2, 512, 128>}, {transform_indices = @transform_2, window_bounds = array<i64: 2, 512, 128>}, {transform_indices = @transform_3, window_bounds = array<i64: 512, 1>}]} {
    %get3A = arith.constant 0 : index
    %get3A_0 = arith.constant 0 : index
    %get3A_1 = arith.constant 0 : index
    %get3A_2 = vector.load %arg2[%get3A, %get3A_0, %get3A_1] : memref<2x512x128xf32, #tpu.memory_space<vmem>>, vector<1x512x128xf32>
    %get3A_3 = vector.shape_cast %get3A_2 : vector<1x512x128xf32> to vector<512x128xf32>
    %slice3A = vector.extract_strided_slice %get3A_3 {offsets = [0, 0], sizes = [512, 1], strides = [1, 1]} : vector<512x128xf32> to vector<512x1xf32>
    %get3A_4 = arith.constant 1 : index
    %get3A_5 = arith.constant 0 : index
    %get3A_6 = arith.constant 0 : index
    %get3A_7 = vector.load %arg2[%get3A_4, %get3A_5, %get3A_6] : memref<2x512x128xf32, #tpu.memory_space<vmem>>, vector<1x512x128xf32>
    %get3A_8 = vector.shape_cast %get3A_7 : vector<1x512x128xf32> to vector<512x128xf32>
    %slice3A_9 = vector.extract_strided_slice %get3A_8 {offsets = [0, 0], sizes = [512, 1], strides = [1, 1]} : vector<512x128xf32> to vector<512x1xf32>
    %add3A = arith.addf %slice3A, %slice3A_9 : vector<512x1xf32>
    %add3A_10 = arith.constant 1.000000e+00 : f32
    %add3A_11 = vector.broadcast %add3A_10 : f32 to vector<512x1xf32>
    %add3A_12 = arith.addf %add3A, %add3A_11 : vector<512x1xf32>
    %rsqrt3A = math.rsqrt %add3A_12 : vector<512x1xf32>
    %swap3A = arith.constant 0 : index
    %swap3A_13 = arith.constant 0 : index
    %swap3A_14 = vector.load %arg4[%swap3A, %swap3A_13] : memref<512x1xf32, #tpu.memory_space<vmem>>, vector<512x1xf32>
    tpu.vector_store %arg4[%swap3A, %swap3A_13], %rsqrt3A {strides = array<i32>} : memref<512x1xf32, #tpu.memory_space<vmem>>, vector<512x1xf32>,
    %get3A_15 = arith.constant 0 : index
    %get3A_16 = arith.constant 0 : index
    %get3A_17 = vector.load %arg1[%get3A_15, %get3A_16] : memref<512x256xf32, #tpu.memory_space<vmem>>, vector<512x256xf32>
    %mul3A = vector.broadcast %rsqrt3A : vector<512x1xf32> to vector<512x256xf32>
    %mul3A_18 = arith.mulf %get3A_17, %mul3A : vector<512x256xf32>
    %slice3A_19 = vector.extract_strided_slice %mul3A_18 {offsets = [0, 0], sizes = [512, 128], strides = [1, 1]} : vector<512x256xf32> to vector<512x128xf32>
    %swap3A_20 = arith.constant 0 : index
    %swap3A_21 = arith.constant 0 : index
    %swap3A_22 = arith.constant 0 : index
    %swap3A_23 = vector.load %arg3[%swap3A_20, %swap3A_21, %swap3A_22] : memref<2x512x128xf32, #tpu.memory_space<vmem>>, vector<1x512x128xf32>
    %swap3A_24 = vector.shape_cast %swap3A_23 : vector<1x512x128xf32> to vector<512x128xf32>
    %swap3A_25 = vector.shape_cast %slice3A_19 : vector<512x128xf32> to vector<1x512x128xf32>
    tpu.vector_store %arg3[%swap3A_20, %swap3A_21, %swap3A_22], %swap3A_25 {strides = array<i32>} : memref<2x512x128xf32, #tpu.memory_space<vmem>>, vector<1x512x128xf32>,
    %slice3A_26 = vector.extract_strided_slice %mul3A_18 {offsets = [0, 128], sizes = [512, 128], strides = [1, 1]} : vector<512x256xf32> to vector<512x128xf32>
    %swap3A_27 = arith.constant 1 : index
    %swap3A_28 = arith.constant 0 : index
    %swap3A_29 = arith.constant 0 : index
    %swap3A_30 = vector.load %arg3[%swap3A_27, %swap3A_28, %swap3A_29] : memref<2x512x128xf32, #tpu.memory_space<vmem>>, vector<1x512x128xf32>
    %swap3A_31 = vector.shape_cast %swap3A_30 : vector<1x512x128xf32> to vector<512x128xf32>
    %swap3A_32 = vector.shape_cast %slice3A_26 : vector<512x128xf32> to vector<1x512x128xf32>
    tpu.vector_store %arg3[%swap3A_27, %swap3A_28, %swap3A_29], %swap3A_32 {strides = array<i32>} : memref<2x512x128xf32, #tpu.memory_space<vmem>>, vector<1x512x128xf32>,
    return
  }
  func.func @transform_0(%arg0: i32) -> (i32, i32) {
    %c0_i32 = arith.constant 0 : i32
    %c0_i32_0 = arith.constant 0 : i32
    return %arg0, %c0_i32 : i32, i32
  }
  func.func @transform_1(%arg0: i32) -> (i32, i32, i32) {
    %c0_i32 = arith.constant 0 : i32
    %c0_i32_0 = arith.constant 0 : i32
    %c0_i32_1 = arith.constant 0 : i32
    return %c0_i32, %arg0, %c0_i32_0 : i32, i32, i32
  }
  func.func @transform_2(%arg0: i32) -> (i32, i32, i32) {
    %c0_i32 = arith.constant 0 : i32
    %c0_i32_0 = arith.constant 0 : i32
    %c0_i32_1 = arith.constant 0 : i32
    return %c0_i32, %arg0, %c0_i32_0 : i32, i32, i32
  }
  func.func @transform_3(%arg0: i32) -> (i32, i32) {
    %c0_i32 = arith.constant 0 : i32
    %c0_i32_0 = arith.constant 0 : i32
    return %arg0, %c0_i32 : i32, i32
  }
}

module attributes {stable_mosaic.version = 14 : i64} {
  func.func @_tcb_body(%arg0: i32, %arg1: memref<2x512x128xf32, #tpu.memory_space<vmem>>, %arg2: memref<512x1xf32, #tpu.memory_space<vmem>>, %arg3: memref<1x256xf32, #tpu.memory_space<vmem>>, %arg4: memref<256x128xf32, #tpu.memory_space<vmem>>, %arg5: memref<2x512x128xf32, #tpu.memory_space<vmem>>) attributes {dimension_semantics = [#tpu.dimension_semantics<arbitrary>], iteration_bounds = array<i64: 20>, scalar_prefetch = 0 : i64, scratch_operands = 0 : i64, tpu.core_type = #tpu.core_type<tc>, window_params = [{transform_indices = @transform_0, window_bounds = array<i64: 2, 512, 128>}, {transform_indices = @transform_1, window_bounds = array<i64: 512, 1>}, {pipeline_mode = #tpu.pipeline_mode<synchronous>, transform_indices = @transform_2, window_bounds = array<i64: 1, 256>}, {pipeline_mode = #tpu.pipeline_mode<synchronous>, transform_indices = @transform_3, window_bounds = array<i64: 256, 128>}, {transform_indices = @transform_4, window_bounds = array<i64: 2, 512, 128>}]} {
    %get3A = arith.constant 0 : index
    %get3A_0 = arith.constant 0 : index
    %get3A_1 = arith.constant 0 : index
    %get3A_2 = vector.load %arg1[%get3A, %get3A_0, %get3A_1] : memref<2x512x128xf32, #tpu.memory_space<vmem>>, vector<1x512x128xf32>
    %get3A_3 = vector.shape_cast %get3A_2 : vector<1x512x128xf32> to vector<512x128xf32>
    %get3A_4 = arith.constant 1 : index
    %get3A_5 = arith.constant 0 : index
    %get3A_6 = arith.constant 0 : index
    %get3A_7 = vector.load %arg1[%get3A_4, %get3A_5, %get3A_6] : memref<2x512x128xf32, #tpu.memory_space<vmem>>, vector<1x512x128xf32>
    %get3A_8 = vector.shape_cast %get3A_7 : vector<1x512x128xf32> to vector<512x128xf32>
    %concatenate3A = tpu.concatenate %get3A_3, %get3A_8 in 1 : vector<512x128xf32>, vector<512x128xf32> -> vector<512x256xf32>
    %get3A_9 = arith.constant 0 : index
    %get3A_10 = arith.constant 0 : index
    %get3A_11 = vector.load %arg2[%get3A_9, %get3A_10] : memref<512x1xf32, #tpu.memory_space<vmem>>, vector<512x1xf32>
    %mul3A = vector.broadcast %get3A_11 : vector<512x1xf32> to vector<512x256xf32>
    %mul3A_12 = arith.mulf %concatenate3A, %mul3A : vector<512x256xf32>
    %get3A_13 = arith.constant 0 : index
    %get3A_14 = arith.constant 0 : index
    %get3A_15 = vector.load %arg3[%get3A_13, %get3A_14] : memref<1x256xf32, #tpu.memory_space<vmem>>, vector<1x256xf32>
    %add3A = vector.broadcast %get3A_15 : vector<1x256xf32> to vector<512x256xf32>
    %add3A_16 = arith.addf %mul3A_12, %add3A : vector<512x256xf32>
    %max3A = arith.constant 0.000000e+00 : f32
    %max3A_17 = vector.broadcast %max3A : f32 to vector<512x256xf32>
    %max3A_18 = arith.maximumf %add3A_16, %max3A_17 : vector<512x256xf32>
    %get3A_19 = arith.constant 0 : index
    %get3A_20 = arith.constant 0 : index
    %get3A_21 = vector.load %arg4[%get3A_19, %get3A_20] : memref<256x128xf32, #tpu.memory_space<vmem>>, vector<256x128xf32>
    %dot_general3A = arith.constant dense<0.000000e+00> : vector<512x128xf32>
    %dot_general3A_22 = tpu.matmul %max3A_18, %get3A_21, %dot_general3A {dimension_numbers = #tpu.dot_dimension_numbers<[1], [0], [0], [1], [0, 0, 1, 1], [], []>, transpose_lhs_hint = false} : vector<512x256xf32>, vector<256x128xf32>, vector<512x128xf32> -> vector<512x128xf32>
    %mul3A_23 = vector.broadcast %get3A_11 : vector<512x1xf32> to vector<512x128xf32>
    %mul3A_24 = arith.mulf %dot_general3A_22, %mul3A_23 : vector<512x128xf32>
    %swap3A = arith.constant 0 : index
    %swap3A_25 = arith.constant 0 : index
    %swap3A_26 = arith.constant 0 : index
    %swap3A_27 = vector.load %arg5[%swap3A, %swap3A_25, %swap3A_26] : memref<2x512x128xf32, #tpu.memory_space<vmem>>, vector<1x512x128xf32>
    %swap3A_28 = vector.shape_cast %swap3A_27 : vector<1x512x128xf32> to vector<512x128xf32>
    %swap3A_29 = vector.shape_cast %mul3A_24 : vector<512x128xf32> to vector<1x512x128xf32>
    tpu.vector_store %arg5[%swap3A, %swap3A_25, %swap3A_26], %swap3A_29 {strides = array<i32>} : memref<2x512x128xf32, #tpu.memory_space<vmem>>, vector<1x512x128xf32>,
    %broadcast_in_dim3A = arith.constant 0.000000e+00 : f32
    %broadcast_in_dim3A_30 = vector.broadcast %broadcast_in_dim3A : f32 to vector<512x128xf32>
    %swap3A_31 = arith.constant 1 : index
    %swap3A_32 = arith.constant 0 : index
    %swap3A_33 = arith.constant 0 : index
    %swap3A_34 = vector.load %arg5[%swap3A_31, %swap3A_32, %swap3A_33] : memref<2x512x128xf32, #tpu.memory_space<vmem>>, vector<1x512x128xf32>
    %swap3A_35 = vector.shape_cast %swap3A_34 : vector<1x512x128xf32> to vector<512x128xf32>
    %swap3A_36 = vector.shape_cast %broadcast_in_dim3A_30 : vector<512x128xf32> to vector<1x512x128xf32>
    tpu.vector_store %arg5[%swap3A_31, %swap3A_32, %swap3A_33], %swap3A_36 {strides = array<i32>} : memref<2x512x128xf32, #tpu.memory_space<vmem>>, vector<1x512x128xf32>,
    return
  }
  func.func @transform_0(%arg0: i32) -> (i32, i32, i32) {
    %c0_i32 = arith.constant 0 : i32
    %c0_i32_0 = arith.constant 0 : i32
    %c0_i32_1 = arith.constant 0 : i32
    return %c0_i32, %arg0, %c0_i32_0 : i32, i32, i32
  }
  func.func @transform_1(%arg0: i32) -> (i32, i32) {
    %c0_i32 = arith.constant 0 : i32
    %c0_i32_0 = arith.constant 0 : i32
    return %arg0, %c0_i32 : i32, i32
  }
  func.func @transform_2(%arg0: i32) -> (i32, i32) {
    %c0_i32 = arith.constant 0 : i32
    %c0_i32_0 = arith.constant 0 : i32
    %c0_i32_1 = arith.constant 0 : i32
    return %c0_i32, %c0_i32_0 : i32, i32
  }
  func.func @transform_3(%arg0: i32) -> (i32, i32) {
    %c0_i32 = arith.constant 0 : i32
    %c0_i32_0 = arith.constant 0 : i32
    %c0_i32_1 = arith.constant 0 : i32
    return %c0_i32, %c0_i32_0 : i32, i32
  }
  func.func @transform_4(%arg0: i32) -> (i32, i32, i32) {
    %c0_i32 = arith.constant 0 : i32
    %c0_i32_0 = arith.constant 0 : i32
    %c0_i32_1 = arith.constant 0 : i32
    return %c0_i32, %arg0, %c0_i32_0 : i32, i32, i32
  }
}

module attributes {stable_mosaic.version = 14 : i64} {
  func.func @_tcc_body(%arg0: i32, %arg1: memref<2x512x128xf32, #tpu.memory_space<vmem>>, %arg2: memref<512x1xf32, #tpu.memory_space<vmem>>, %arg3: memref<1x128xf32, #tpu.memory_space<vmem>>, %arg4: memref<512x128xf32, #tpu.memory_space<vmem>>) attributes {dimension_semantics = [#tpu.dimension_semantics<arbitrary>], iteration_bounds = array<i64: 20>, scalar_prefetch = 0 : i64, scratch_operands = 0 : i64, tpu.core_type = #tpu.core_type<tc>, window_params = [{transform_indices = @transform_0, window_bounds = array<i64: 2, 512, 128>}, {transform_indices = @transform_1, window_bounds = array<i64: 512, 1>}, {pipeline_mode = #tpu.pipeline_mode<synchronous>, transform_indices = @transform_2, window_bounds = array<i64: 1, 128>}, {transform_indices = @transform_3, window_bounds = array<i64: 512, 128>}]} {
    %get3A = arith.constant 0 : index
    %get3A_0 = arith.constant 0 : index
    %get3A_1 = arith.constant 0 : index
    %get3A_2 = vector.load %arg1[%get3A, %get3A_0, %get3A_1] : memref<2x512x128xf32, #tpu.memory_space<vmem>>, vector<1x512x128xf32>
    %get3A_3 = vector.shape_cast %get3A_2 : vector<1x512x128xf32> to vector<512x128xf32>
    %get3A_4 = arith.constant 1 : index
    %get3A_5 = arith.constant 0 : index
    %get3A_6 = arith.constant 0 : index
    %get3A_7 = vector.load %arg1[%get3A_4, %get3A_5, %get3A_6] : memref<2x512x128xf32, #tpu.memory_space<vmem>>, vector<1x512x128xf32>
    %get3A_8 = vector.shape_cast %get3A_7 : vector<1x512x128xf32> to vector<512x128xf32>
    %add3A = arith.addf %get3A_3, %get3A_8 : vector<512x128xf32>
    %get3A_9 = arith.constant 0 : index
    %get3A_10 = arith.constant 0 : index
    %get3A_11 = vector.load %arg2[%get3A_9, %get3A_10] : memref<512x1xf32, #tpu.memory_space<vmem>>, vector<512x1xf32>
    %mul3A = vector.broadcast %get3A_11 : vector<512x1xf32> to vector<512x128xf32>
    %mul3A_12 = arith.mulf %add3A, %mul3A : vector<512x128xf32>
    %get3A_13 = arith.constant 0 : index
    %get3A_14 = arith.constant 0 : index
    %get3A_15 = vector.load %arg3[%get3A_13, %get3A_14] : memref<1x128xf32, #tpu.memory_space<vmem>>, vector<1x128xf32>
    %add3A_16 = vector.broadcast %get3A_15 : vector<1x128xf32> to vector<512x128xf32>
    %add3A_17 = arith.addf %mul3A_12, %add3A_16 : vector<512x128xf32>
    %max3A = arith.constant 0.000000e+00 : f32
    %max3A_18 = vector.broadcast %max3A : f32 to vector<512x128xf32>
    %max3A_19 = arith.maximumf %add3A_17, %max3A_18 : vector<512x128xf32>
    %swap3A = arith.constant 0 : index
    %swap3A_20 = arith.constant 0 : index
    %swap3A_21 = vector.load %arg4[%swap3A, %swap3A_20] : memref<512x128xf32, #tpu.memory_space<vmem>>, vector<512x128xf32>
    tpu.vector_store %arg4[%swap3A, %swap3A_20], %max3A_19 {strides = array<i32>} : memref<512x128xf32, #tpu.memory_space<vmem>>, vector<512x128xf32>,
    return
  }
  func.func @transform_0(%arg0: i32) -> (i32, i32, i32) {
    %c0_i32 = arith.constant 0 : i32
    %c0_i32_0 = arith.constant 0 : i32
    %c0_i32_1 = arith.constant 0 : i32
    return %c0_i32, %arg0, %c0_i32_0 : i32, i32, i32
  }
  func.func @transform_1(%arg0: i32) -> (i32, i32) {
    %c0_i32 = arith.constant 0 : i32
    %c0_i32_0 = arith.constant 0 : i32
    return %arg0, %c0_i32 : i32, i32
  }
  func.func @transform_2(%arg0: i32) -> (i32, i32) {
    %c0_i32 = arith.constant 0 : i32
    %c0_i32_0 = arith.constant 0 : i32
    %c0_i32_1 = arith.constant 0 : i32
    return %c0_i32, %c0_i32_0 : i32, i32
  }
  func.func @transform_3(%arg0: i32) -> (i32, i32) {
    %c0_i32 = arith.constant 0 : i32
    %c0_i32_0 = arith.constant 0 : i32
    return %arg0, %c0_i32 : i32, i32
  }
}

</mosaic_0001>

<sc_bundles>
// kernel: kernel.12.cloned.1.call-start
scs
__scs_entry_jumppad:
0x0: {  	(pc) =	sbr.rel $0x88, $3  }
0x1: {  	(tag) =	ssettag $0x0;
	lr =	simm.s32 $0x1  }
0x2: {  	[smem:$0x3F9B] =	sst lr;
	_ =	strace $0xD0000000  }
0x3: {  	_ = 	snop  }
0x4: {  	_ = 	snop  }
0x5: {  	_ = 	snop  }
0x6: {  	_ = 	snop  }
0x7: {  	_ = 	snop  }
__scs_overlays_trampoline_lowered:
0x8: {  	[smem:$0x3FAA] =	sst s0  }
0x9: {  	[smem:$0x3FAB] =	sst s1  }
0xa: {  	[smem:$0x3FAC] =	sst s2  }
0xb: {  	[smem:$0x3FAD] =	sst s3  }
0xc: {  	[smem:$0x3FAE] =	sst s4  }
0xd: {  	[smem:$0x3FAF] =	sst s5  }
0xe: {  	[smem:$0x3FB0] =	sst s6  }
0xf: {  	[smem:$0x3FB1] =	sst s7  }
0x10: {  	[smem:$0x3FB2] =	sst s8  }
0x11: {  	[smem:$0x3FB3] =	sst s9;
	s0 =	simm.s32 @!p0 $0x0  }
0x12: {  	s1 =	sld [smem:$0x3F99];
	s0 =	simm.s32 @p0 $0x1  }
0x13: {  	[smem:$0x3FB4] =	sst s0;
	s0 =	simm.s32 @!p1 $0x0  }
0x14: {  	s2 =	sld [smem:$0x3F98];
	s0 =	simm.s32 @p1 $0x1  }
0x15: {  	[smem:$0x3FB5] =	sst s0;
	s0 =	simm.s32 @!p2 $0x0  }
0x16: {  	s3 =	sld [smem:$0x3FDB];
	s0 =	simm.s32 @p2 $0x1  }
0x17: {  	s4 =	simm.s32 $0x1BF5;
	[smem:$0x3FB7] =	sst s0  }
0x18: {  	s0 =	sld [smem:$0x3F9A];
	_ =	swait.ge [sflag:s4], $0x0  }
0x19: {  	s7 =	sld [smem:$0x3F9B]  }
0x1a: {  	s8 =	sadd.s32 $0xFFFFE003, lr  }
0x1b: {  	s9 =	sadd.s32 $0xFFFFFEF7, lr;
	s5 =	simm.s32 $0xFFFFFFFF;
	p2 =	slt.u32 s8, $0xFFFFF086  }
0x1c: {  	p1 =	slt.u32 s9, $0xF7A;
	s5 =	simm.s32 @!p2 $0x0  }
0x1d: {  	s5 =	simm.s32 @p1 $0x1;
	p0 =	seq.s32 s7, s2  }
0x1e: {  	s7 =	smul.u32 @!p0 $0xF7A, s2;
	p2 =	seq.s32 @!p0 s5, $0x0  }
0x1f: {  	s9 =	smul.u32 $0xF7A, s1;
	s8 =	simm.s32 @!p0 $0x1BF5;
	p2 =	por !p2, p0  }
0x20: {  	[sflag:s8] =	ssyncset.s32 @!p0 $0xFFFFF086;
	s6 =	sadd.s32 @!p0 s3, s7;
	s7 =	simm.s32 @!p0 $0x108  }
0x21: {  	s3 =	sadd.s32 s3, s9;
	s6 =	sadd.s32 @!p0 $0x88, s6;
	s7 =	simm.s32 @p2 $0x1082  }
0x22: {  	[simem:s7], [sflag:s8] =	dma.local @!p0 [hbm:s6], $0xF7A  }
0x23: {  	s9 =	sor.u32 $0xD0000000, s2;
	s6 =	simm.s32 $0x108;
	_ =	swait.ge @!p0 [sflag:s8], $0x0  }
0x24: {  	s3 =	sadd.s32 $0x88, s3;
	s6 =	simm.s32 @!p1 $0x1082;
	[sflag:s4] =	ssyncset.s32 $0xFFFFF086  }
0x25: {  	[simem:s6], [sflag:s4] =	dma.local [hbm:s3], $0xF7A  }
0x26: {  	[smem:$0x3F9B] =	sst s1;
	(tag) =	ssettag s2;
	_ =	strace s9  }
0x27: {  	s1 =	sld [smem:$0x3FAB]  }
0x28: {  	s2 =	sld [smem:$0x3FAC]  }
0x29: {  	s4 =	sld [smem:$0x3FAE]  }
0x2a: {  	p0 =	seq.s32 s5, $0x0;
	s5 =	sld [smem:$0x3FAF]  }
0x2b: {  	s6 =	sld [smem:$0x3FB0]  }
0x2c: {  	s7 =	sld [smem:$0x3FB1]  }
0x2d: {  	s3 =	simm.s32 $0x108;
	s8 =	sld [smem:$0x3FB2]  }
0x2e: {  	s3 =	simm.s32 @!p0 $0x1082;
	s9 =	sld [smem:$0x3FB3]  }
0x2f: {  	lr =	sadd.s32 s0, s3;
	s0 =	sld [smem:$0x3FAA]  }
0x30: {  	s3 =	sld [smem:$0x3FAD]  }
0x31: {  	[smem:$0x3FB6] =	sst s10  }
0x32: {  	s10 =	sld [smem:$0x3FB4];
	_ =	sdelay $0x3  }
0x33: {  	p0 =	seq.s32 s10, $0x1;
	s10 =	sld [smem:$0x3FB6];
	_ =	sdelay $0x3  }
0x34: {  	[smem:$0x3FB6] =	sst s10  }
0x35: {  	s10 =	sld [smem:$0x3FB5];
	_ =	sdelay $0x3  }
0x36: {  	p1 =	seq.s32 s10, $0x1;
	s10 =	sld [smem:$0x3FB6];
	_ =	sdelay $0x3  }
0x37: {  	[smem:$0x3FB6] =	sst s10  }
0x38: {  	s10 =	sld [smem:$0x3FB7]  }
0x39: {  	_ = 	snop;
	(pc) =	sbr.ind lr, $3  }
0x3a: {  	_ = 	snop  }
0x3b: {  	_ = 	snop  }
0x3c: {  	p2 =	seq.s32 s10, $0x1;
	s10 =	sld [smem:$0x3FB6]  }
0x3d: {  	_ =	shalt  }
0x3e: {  	_ =	shalt  }
0x3f: {  	_ =	shalt  }
0x40: {  	_ =	shalt  }
0x41: {  	_ =	shalt  }
0x42: {  	_ =	shalt  }
0x43: {  	_ =	shalt  }
0x44: {  	_ =	shalt  }
0x45: {  	_ =	shalt  }
0x46: {  	_ =	shalt  }
0x47: {  	_ =	shalt  }
0x48: {  	_ =	shalt  }
0x49: {  	_ =	shalt  }
0x4a: {  	_ =	shalt  }
0x4b: {  	_ =	shalt  }
0x4c: {  	_ =	shalt  }
0x4d: {  	_ =	shalt  }
0x4e: {  	_ =	shalt  }
0x4f: {  	_ =	shalt  }
0x50: {  	_ =	shalt  }
0x51: {  	_ =	shalt  }
0x52: {  	_ =	shalt  }
0x53: {  	_ =	shalt  }
0x54: {  	_ =	shalt  }
0x55: {  	_ =	shalt  }
0x56: {  	_ =	shalt  }
0x57: {  	_ =	shalt  }
0x58: {  	_ =	shalt  }
0x59: {  	_ =	shalt  }
0x5a: {  	_ =	shalt  }
0x5b: {  	_ =	shalt  }
0x5c: {  	_ =	shalt  }
0x5d: {  	_ =	shalt  }
0x5e: {  	_ =	shalt  }
0x5f: {  	_ =	shalt  }
0x60: {  	_ =	shalt  }
0x61: {  	_ =	shalt  }
0x62: {  	_ =	shalt  }
0x63: {  	_ =	shalt  }
0x64: {  	_ =	shalt  }
0x65: {  	_ =	shalt  }
0x66: {  	_ =	shalt  }
0x67: {  	_ =	shalt  }
0x68: {  	_ =	shalt  }
0x69: {  	_ =	shalt  }
0x6a: {  	_ =	shalt  }
0x6b: {  	_ =	shalt  }
0x6c: {  	_ =	shalt  }
0x6d: {  	_ =	shalt  }
0x6e: {  	_ =	shalt  }
0x6f: {  	_ =	shalt  }
0x70: {  	_ =	shalt  }
0x71: {  	_ =	shalt  }
0x72: {  	_ =	shalt  }
0x73: {  	_ =	shalt  }
0x74: {  	_ =	shalt  }
0x75: {  	_ =	shalt  }
0x76: {  	_ =	shalt  }
0x77: {  	_ =	shalt  }
0x78: {  	_ =	shalt  }
0x79: {  	_ =	shalt  }
0x7a: {  	_ =	shalt  }
0x7b: {  	_ =	shalt  }
0x7c: {  	_ =	shalt  }
0x7d: {  	_ =	shalt  }
0x7e: {  	_ =	shalt  }
0x7f: {  	_ =	shalt  }
0x80: {  	_ =	shalt  }
0x81: {  	_ =	shalt  }
0x82: {  	_ =	shalt  }
0x83: {  	_ =	shalt  }
0x84: {  	_ =	shalt  }
0x85: {  	_ =	shalt  }
0x86: {  	_ =	shalt  }
0x87: {  	_ =	shalt  }
.Lfunc_end0:
.L_simem_size_0:
called_computation.1_lowered:
.L_overlay_start_0:
0x88: {  	s2 =	sld [smem:$0x3FD9]  }
0x89: {  	s3 =	sld [smem:$0x3FFE];
	_ =	sdelay $0x1  }
0x8a: {  	s1 =	srdreg.scid  }
0x8b: {  	s0 =	sand.u32 $0x1, s1  }
0x8c: {  	s17 =	sshll.u32 s0, $0xA;
	s2 =	sadd.s32 s3, s2  }
0x8d: {  	s2 =	sadd.s32 s2, s17  }
0x8e: {  	[smem:$0x3FC2] =	sst s2  }
0x8f: {  	_ = 	snop  }
0x90: {  	s2 =	sld [smem:$0x3FD0];
	(tm) =	ssettm $0x1  }
0x91: {  	s18 =	sld [smem:$0x3FFB];
	_ =	sdelay $0x3  }
0x92: {  	_ =	strace s18  }
0x93: {  	s3 =	sld [smem:$0x3FFC];
	_ =	sdelay $0x3  }
0x94: {  	_ =	strace s3  }
0x95: {  	s3 =	sld [smem:$0x3FFD];
	_ =	sdelay $0x3  }
0x96: {  	_ =	strace s3  }
0x97: {  	_ =	strace $0x8FFFFFFF  }
0x98: {  	s19 =	sld [smem:$0x3FDB];
	_ =	sdelay $0x1  }
0x99: {  	s4 =	simm.s32 $_scs_section_size  }
0x9a: {  	s5 =	simm.s32 $_size__tile_overlayer_lowered;
	s6 =	simm.s32 $_tile_overlayer_lowered  }
0x9b: {  	s22 =	simm.s32 $0x1BFF;
	s21 =	sshll.u32 s6, $0x1;
	s3 =	sadd.s32 s4, s19  }
0x9c: {  	s7 =	simm.s32 $0x0;
	s20 =	sshll.u32 s5, $0x1;
	s5 =	sadd.s32 s21, s3  }
0x9d: {  	[timem:s7], [sflag:s22] =	dma.local [hbm:s5], s20  }
0x9e: {  	_ =	swait.ge [sflag:s22], s20  }
0x9f: {  	s4 =	ssub.s32 $0x0, s20;
	[sflag:s22] =	ssyncset.done $0x0  }
0xa0: {  	[sflag:s22] =	ssyncadd.s32 s4;
	_ =	sdelay $0x1  }
0xa1: {  	s23 =	simm.s32 $0x1B8B  }
0xa2: {  	_ =	swait.ge [sflag:s23], $0x1  }
0xa3: {  	[sflag:s23] =	ssyncset.done $0x0  }
0xa4: {  	s25 =	simm.s32 $0x1B8E;
	s24 =	sld [smem:$0x3FFE];
	[sflag:s23] =	ssyncadd.s32 $0xFFFFFFFF  }
0xa5: {  	s26 =	simm.s32 $execute0_lowered;
	[smem:$0x3FD2] =	sst s25  }
0xa6: {  	s5 =	sshll.u32 s26, $0x1;
	_ =	strace $0x80000049;
	[dreg:$0x1] =	wrdreg $0xFFFFFFFF  }
0xa7: {  	s28 =	simm.s32 $_size_execute0_lowered;
	s3 =	sadd.s32 s3, s5;
	[dreg:$0x0] =	wrdreg $0x0  }
0xa8: {  	s5 =	sshll.u32 s28, $0x1;
	[dreg:$0x2] =	wrdreg s3  }
0xa9: {  	[dreg:$0x3] =	wrdreg s5  }
0xaa: {  	[dreg:$0x4] =	wrdreg $0xC0  }
0xab: {  	_ =	task [dreg:s7], $0x5FFFF  }
0xac: {  	[dreg:$0x1] =	wrdreg $0xFFFFFFFF  }
0xad: {  	[dreg:$0x0] =	wrdreg $0x60  }
0xae: {  	[dreg:$0x2] =	wrdreg s24  }
0xaf: {  	[dreg:$0x3] =	wrdreg s2  }
0xb0: {  	[dreg:$0x4] =	wrdreg $0x90000  }
0xb1: {  	[dreg:$0x5] =	wrdreg $0x9  }
0xb2: {  	_ =	task.clear_ibuf [dreg:s7], $0x6FFFF;
	_ =	strace $0x90000049  }
0xb3: {  	s29 =	simm.s32 $0x9;
	_ =	strace $0x8000004B  }
0xb4: {  	_ =	swait.ge [sflag:s29], $0x1  }
0xb5: {  	[sflag:s29] =	ssyncadd.s32 $0xFFFFFFFF  }
0xb6: {  	_ =	strace $0x9000004B  }
0xb7: {  	_ =	sfence  }
0xb8: {  	s30 =	sld [smem:$0x0];
	_ =	sdelay $0x2  }
0xb9: {  	s31 =	sshll.u32 s1, $0xD;
	s1 =	sshrl.u32 s1, $0x2  }
0xba: {  	s3 =	sand.u32 $0x4000, s31;
	s1 =	sadd.s32 s1, s30  }
0xbb: {  	s0 =	sor.u32 s3, s0;
	s1 =	sshll.u32 s1, $0x11  }
0xbc: {  	s0 =	sor.u32 s1, s0  }
0xbd: {  	s0 =	sadd.s32 $0x8F2B, s0  }
0xbe: {  	[sflag:s0] =	ssyncadd.remote.s32 $0x1  }
0xbf: {  	_ =	sfence.sel $0xFFFF  }
0xc0: {  	[dreg:$0x0] =	wrdreg $0xFFFFFFFF;
	(pc) =	sbr.abs _section_cstart, $3  }
0xc1: {  	[dreg:$0x1] =	wrdreg $0xFFFFFFFF  }
0xc2: {  	_ =	task.clear_ibuf [dreg:s7], $0x2FFFF;
	_ =	strace $0x9FFFFFFF  }
0xc3: {  	(tm) =	ssettm $0x7FFFFFFF  }
tec
execute0_lowered:
.L_overlay_start_1:
0x0: {  	(tag) =	ssettag $0x1  }
0x1: {  	s0 =	rddreg [dreg:$0x0];
	s1 =	srdreg.scid  }
0x2: {  	s5 =	rddreg [dreg:$0x1];
	s11 =	stileid.u32  }
0x3: {  	s2 =	rddreg [dreg:$0x2];
	s3 =	simm.s32 $0x0;
	s12 =	simm.s32 $0x880  }
0x4: {  	s14 =	simm.s32 $0x100;
	s15 =	simm.s32 $0x180;
	s16 =	simm.s32 $0x900  }
0x5: {  	s17 =	simm.s32 $0x980;
	s18 =	simm.s32 $0x200;
	[smem:$0x7FF] =	sst s3  }
0x6: {  	s19 =	simm.s32 $0x280;
	_ =	strace $0x8000004A;
	[dreg:$0x6] =	wrdreg s12  }
0x7: {  	s20 =	simm.s32 $0xA00;
	s21 =	simm.s32 $0xA80;
	[dreg:$0x7] =	wrdreg s14  }
0x8: {  	s22 =	simm.s32 $0x300;
	s23 =	simm.s32 $0x380;
	[dreg:$0x8] =	wrdreg s15  }
0x9: {  	s24 =	simm.s32 $0xB00;
	s25 =	simm.s32 $0xB80;
	[dreg:$0x9] =	wrdreg s16  }
0xa: {  	s28 =	simm.s32 $0x680;
	s29 =	simm.s32 $0xE00;
	[dreg:$0xa] =	wrdreg s17  }
0xb: {  	s30 =	simm.s32 $0xE80;
	s6 =	smul.u32 $0x5000, s11;
	[dreg:$0xb] =	wrdreg s18  }
0xc: {  	s31 =	simm.s32 $0x700;
	s8 =	smul.u32 $0x280, s11;
	[dreg:$0xc] =	wrdreg s19  }
0xd: {  	s1 =	sand.u32 $0x1, s1;
	s26 =	smul.u32 $0x50000, s11;
	[dreg:$0xd] =	wrdreg s20  }
0xe: {  	s13 =	sshll.u32 s11, $0x6;
	s4 =	smul.u32 $0x50000, s1;
	[dreg:$0xe] =	wrdreg s21  }
0xf: {  	s11 =	simm.s32 $0x800;
	s7 =	smul.u32 $0x2800, s1;
	[dreg:$0xf] =	wrdreg s22  }
0x10: {  	s1 =	ssub.s32 $0x2, s1;
	s12 =	simm.s32 $0x80;
	[dreg:$0x10] =	wrdreg s23  }
0x11: {  	s14 =	simm.s32 $0x5000;
	s15 =	simm.s32 $0x1;
	[dreg:$0x11] =	wrdreg s24  }
0x12: {  	s16 =	simm.s32 $0x2;
	s17 =	simm.s32 $0x3;
	[dreg:$0x12] =	wrdreg s25  }
0x13: {  	s18 =	simm.s32 $0x4;
	s19 =	simm.s32 $0x480;
	s20 =	simm.s32 $0xC00  }
0x14: {  	s21 =	simm.s32 $0xC80;
	s22 =	simm.s32 $0x500;
	s23 =	simm.s32 $0x580  }
0x15: {  	s24 =	simm.s32 $0xD00;
	s25 =	simm.s32 $0xD80;
	s10 =	sshrl.u32 s1, $0x1  }
0x16: {  	s6 =	sadd.s32 s6, s4;
	s4 =	sadd.s32 $0x16400, s0;
	s7 =	sadd.s32 s8, s7  }
0x17: {  	s1 =	ssub.s32 s1, s10;
	s8 =	sshrl.u32 s26, $0x2;
	s26 =	simm.s32 $0x400  }
0x18: {  	s6 =	sshrl.u32 s6, $0x3;
	s7 =	sshll.u32 s7, $0x4;
	s8 =	sadd.s32 s8, s2  }
0x19: {  	s1 =	smax.u32 s1, $0x1;
	[dreg:$0x13] =	wrdreg s26;
	s26 =	simm.s32 $0x600  }
0x1a: {  	s9 =	sadd.s32 s6, s0;
	s10 =	sadd.s32 s4, s7;
	[dreg:$0x17] =	wrdreg s1  }
0x1b: {  	s0 =	sadd.s32 s7, s0;
	s5 =	sadd.s32 s6, s5;
	[dreg:$0x14] =	wrdreg s10  }
0x1c: {  	s7 =	sor.u32 $0x1C05, s13;
	s8 =	sshrl.u32 s8, $0x3;
	[dreg:$0x5] =	wrdreg s5  }
0x1d: {  	s13 =	simm.s32 $0x1000;
	s1 =	simm.s32 $0x780;
	[dreg:$0x15] =	wrdreg s7  }
0x1e: {  	s9 =	sadd.s32 $0xB9400, s9;
	s0 =	sadd.s32 $0x66400, s0;
	[dreg:$0x18] =	wrdreg s8  }
0x1f: {  	s10 =	simm.s32 $0x5;
	s5 =	simm.s32 $0xF80;
	[dreg:$0x4] =	wrdreg s9  }
0x20: {  	[dreg:$0x16] =	wrdreg s0;
	s0 =	simm.s32 $0xF00;
	s9 =	simm.s32 $0x0  }
.LBB2_1:
0x21: {  	[dreg:$0x19] =	wrdreg s9  }
0x22: {  	s6 =	rddreg [dreg:$0x14]  }
0x23: {  	[spmem:s8], [sflag:s7] =	dma.local [hbm:s6], $0x2800  }
0x24: {  	_ =	swait.ge [sflag:s10], $0x2800  }
0x25: {  	[sflag:s10] =	ssyncset.done $0x0  }
0x26: {  	[sflag:s10] =	ssyncadd.s32 $0xFFFFD800  }
0x27: {  	[bflag:$0x0] =	sbarrier.arrive $0xFFFF  }
0x28: {  	s9 =	rddreg [dreg:$0x5]  }
0x29: {  	s6 =	sadd.s32 $0x0, s9  }
0x2a: {  	[tilespmem:s3], [sflag:$0x5] =	stream.linear.gather [hbm4b:s6+s3], $0x800, $0x38;
	[tilespmem:$0x1D000] =	vst v63  }
0x2b: {  	_ =	swait.ge [sflag:s10], $0x800  }
0x2c: {  	s7 =	rddreg [dreg:$0x4];
	[sflag:s10] =	ssyncset.done $0x0  }
0x2d: {  	[sflag:s10] =	ssyncadd.s32 $0xFFFFF800;
	s6 =	sadd.s32 $0x0, s7  }
0x2e: {  	[tilespmem:s11], [sflag:$0x5] =	stream.linear.gather [hbm4b:s6+s3], $0x800, $0x38;
	[tilespmem:$0x1D000] =	vst v63  }
0x2f: {  	_ =	swait.ge [sflag:s10], $0x800  }
0x30: {  	[sflag:s10] =	ssyncset.done $0x0  }
0x31: {  	[sflag:s10] =	ssyncadd.s32 $0xFFFFF800  }
0x32: {  	[tilespmem:s13], [sflag:$0x1] =	stream.indirect.gather [hbm4b:s4+s12], $0x80, s3, s12, $0xb8;
	[tilespmem:$0x1D000] =	vst v63  }
0x33: {  	_ = 	snop  }
0x34: {  	[tilespmem:s14], [sflag:$0x2] =	stream.indirect.gather [hbm4b:s4+s12], $0x80, s12, s12, $0xb8;
	[tilespmem:$0x1D000] =	vst v63  }
0x35: {  	_ =	swait.ge [sflag:s15], $0x4000  }
0x36: {  	[sflag:s15] =	ssyncset.done $0x0  }
0x37: {  	[sflag:s15] =	ssyncadd.s32 $0xFFFFC000  }
0x38: {  	[spmem:s2] =	stream.indirect.scatter.add.f32 [tilespmem:s13], [sflag:$0x3], $0x80, s11, s12, $0xb8;
	[tilespmem:$0x1D000] =	vst v63  }
0x39: {  	_ =	swait.ge [sflag:s16], $0x4000  }
0x3a: {  	[sflag:s16] =	ssyncset.done $0x0  }
0x3b: {  	s8 =	rddreg [dreg:$0x6];
	[sflag:s16] =	ssyncadd.s32 $0xFFFFC000  }
0x3c: {  	[spmem:s2] =	stream.indirect.scatter.add.f32 [tilespmem:s14], [sflag:$0x4], $0x80, s8, s12, $0xb8;
	[tilespmem:$0x1D000] =	vst v63  }
0x3d: {  	_ =	swait.ge [sflag:s17], $0x4000  }
0x3e: {  	[sflag:s17] =	ssyncset.done $0x0  }
0x3f: {  	s9 =	rddreg [dreg:$0x7];
	[sflag:s17] =	ssyncadd.s32 $0xFFFFC000  }
0x40: {  	[tilespmem:s13], [sflag:$0x1] =	stream.indirect.gather [hbm4b:s4+s12], $0x80, s9, s12, $0xb8;
	[tilespmem:$0x1D000] =	vst v63  }
0x41: {  	_ =	swait.ge [sflag:s18], $0x4000  }
0x42: {  	[sflag:s18] =	ssyncset.done $0x0  }
0x43: {  	s7 =	rddreg [dreg:$0x8];
	[sflag:s18] =	ssyncadd.s32 $0xFFFFC000  }
0x44: {  	[tilespmem:s14], [sflag:$0x2] =	stream.indirect.gather [hbm4b:s4+s12], $0x80, s7, s12, $0xb8;
	[tilespmem:$0x1D000] =	vst v63  }
0x45: {  	_ =	swait.ge [sflag:s15], $0x4000  }
0x46: {  	[sflag:s15] =	ssyncset.done $0x0  }
0x47: {  	s8 =	rddreg [dreg:$0x9];
	[sflag:s15] =	ssyncadd.s32 $0xFFFFC000  }
0x48: {  	[spmem:s2] =	stream.indirect.scatter.add.f32 [tilespmem:s13], [sflag:$0x3], $0x80, s8, s12, $0xb8;
	[tilespmem:$0x1D000] =	vst v63  }
0x49: {  	_ =	swait.ge [sflag:s16], $0x4000  }
0x4a: {  	[sflag:s16] =	ssyncset.done $0x0  }
0x4b: {  	s9 =	rddreg [dreg:$0xa];
	[sflag:s16] =	ssyncadd.s32 $0xFFFFC000  }
0x4c: {  	[spmem:s2] =	stream.indirect.scatter.add.f32 [tilespmem:s14], [sflag:$0x4], $0x80, s9, s12, $0xb8;
	[tilespmem:$0x1D000] =	vst v63  }
0x4d: {  	_ =	swait.ge [sflag:s17], $0x4000  }
0x4e: {  	[sflag:s17] =	ssyncset.done $0x0  }
0x4f: {  	s7 =	rddreg [dreg:$0xb];
	[sflag:s17] =	ssyncadd.s32 $0xFFFFC000  }
0x50: {  	[tilespmem:s13], [sflag:$0x1] =	stream.indirect.gather [hbm4b:s4+s12], $0x80, s7, s12, $0xb8;
	[tilespmem:$0x1D000] =	vst v63  }
0x51: {  	_ =	swait.ge [sflag:s18], $0x4000  }
0x52: {  	[sflag:s18] =	ssyncset.done $0x0  }
0x53: {  	s8 =	rddreg [dreg:$0xc];
	[sflag:s18] =	ssyncadd.s32 $0xFFFFC000  }
0x54: {  	[tilespmem:s14], [sflag:$0x2] =	stream.indirect.gather [hbm4b:s4+s12], $0x80, s8, s12, $0xb8;
	[tilespmem:$0x1D000] =	vst v63  }
0x55: {  	_ =	swait.ge [sflag:s15], $0x4000  }
0x56: {  	[sflag:s15] =	ssyncset.done $0x0  }
0x57: {  	s9 =	rddreg [dreg:$0xd];
	[sflag:s15] =	ssyncadd.s32 $0xFFFFC000  }
0x58: {  	[spmem:s2] =	stream.indirect.scatter.add.f32 [tilespmem:s13], [sflag:$0x3], $0x80, s9, s12, $0xb8;
	[tilespmem:$0x1D000] =	vst v63  }
0x59: {  	_ =	swait.ge [sflag:s16], $0x4000  }
0x5a: {  	[sflag:s16] =	ssyncset.done $0x0  }
0x5b: {  	s7 =	rddreg [dreg:$0xe];
	[sflag:s16] =	ssyncadd.s32 $0xFFFFC000  }
0x5c: {  	[spmem:s2] =	stream.indirect.scatter.add.f32 [tilespmem:s14], [sflag:$0x4], $0x80, s7, s12, $0xb8;
	[tilespmem:$0x1D000] =	vst v63  }
0x5d: {  	_ =	swait.ge [sflag:s17], $0x4000  }
0x5e: {  	[sflag:s17] =	ssyncset.done $0x0  }
0x5f: {  	s8 =	rddreg [dreg:$0xf];
	[sflag:s17] =	ssyncadd.s32 $0xFFFFC000  }
0x60: {  	[tilespmem:s13], [sflag:$0x1] =	stream.indirect.gather [hbm4b:s4+s12], $0x80, s8, s12, $0xb8;
	[tilespmem:$0x1D000] =	vst v63  }
0x61: {  	_ =	swait.ge [sflag:s18], $0x4000  }
0x62: {  	[sflag:s18] =	ssyncset.done $0x0  }
0x63: {  	s9 =	rddreg [dreg:$0x10];
	[sflag:s18] =	ssyncadd.s32 $0xFFFFC000  }
0x64: {  	[tilespmem:s14], [sflag:$0x2] =	stream.indirect.gather [hbm4b:s4+s12], $0x80, s9, s12, $0xb8;
	[tilespmem:$0x1D000] =	vst v63  }
0x65: {  	_ =	swait.ge [sflag:s15], $0x4000  }
0x66: {  	[sflag:s15] =	ssyncset.done $0x0  }
0x67: {  	s7 =	rddreg [dreg:$0x11];
	[sflag:s15] =	ssyncadd.s32 $0xFFFFC000  }
0x68: {  	[spmem:s2] =	stream.indirect.scatter.add.f32 [tilespmem:s13], [sflag:$0x3], $0x80, s7, s12, $0xb8;
	[tilespmem:$0x1D000] =	vst v63  }
0x69: {  	_ =	swait.ge [sflag:s16], $0x4000  }
0x6a: {  	[sflag:s16] =	ssyncset.done $0x0  }
0x6b: {  	s8 =	rddreg [dreg:$0x12];
	[sflag:s16] =	ssyncadd.s32 $0xFFFFC000  }
0x6c: {  	[spmem:s2] =	stream.indirect.scatter.add.f32 [tilespmem:s14], [sflag:$0x4], $0x80, s8, s12, $0xb8;
	[tilespmem:$0x1D000] =	vst v63  }
0x6d: {  	_ =	swait.ge [sflag:s17], $0x4000  }
0x6e: {  	[sflag:s17] =	ssyncset.done $0x0  }
0x6f: {  	s9 =	rddreg [dreg:$0x13];
	[sflag:s17] =	ssyncadd.s32 $0xFFFFC000  }
0x70: {  	[tilespmem:s13], [sflag:$0x1] =	stream.indirect.gather [hbm4b:s4+s12], $0x80, s9, s12, $0xb8;
	[tilespmem:$0x1D000] =	vst v63  }
0x71: {  	_ =	swait.ge [sflag:s18], $0x4000  }
0x72: {  	[sflag:s18] =	ssyncset.done $0x0  }
0x73: {  	[sflag:s18] =	ssyncadd.s32 $0xFFFFC000  }
0x74: {  	[tilespmem:s14], [sflag:$0x2] =	stream.indirect.gather [hbm4b:s4+s12], $0x80, s19, s12, $0xb8;
	[tilespmem:$0x1D000] =	vst v63  }
0x75: {  	_ =	swait.ge [sflag:s15], $0x4000  }
0x76: {  	[sflag:s15] =	ssyncset.done $0x0  }
0x77: {  	[sflag:s15] =	ssyncadd.s32 $0xFFFFC000  }
0x78: {  	[spmem:s2] =	stream.indirect.scatter.add.f32 [tilespmem:s13], [sflag:$0x3], $0x80, s20, s12, $0xb8;
	[tilespmem:$0x1D000] =	vst v63  }
0x79: {  	_ =	swait.ge [sflag:s16], $0x4000  }
0x7a: {  	[sflag:s16] =	ssyncset.done $0x0  }
0x7b: {  	[sflag:s16] =	ssyncadd.s32 $0xFFFFC000  }
0x7c: {  	[spmem:s2] =	stream.indirect.scatter.add.f32 [tilespmem:s14], [sflag:$0x4], $0x80, s21, s12, $0xb8;
	[tilespmem:$0x1D000] =	vst v63  }
0x7d: {  	_ =	swait.ge [sflag:s17], $0x4000  }
0x7e: {  	[sflag:s17] =	ssyncset.done $0x0  }
0x7f: {  	[sflag:s17] =	ssyncadd.s32 $0xFFFFC000  }
0x80: {  	[tilespmem:s13], [sflag:$0x1] =	stream.indirect.gather [hbm4b:s4+s12], $0x80, s22, s12, $0xb8;
	[tilespmem:$0x1D000] =	vst v63  }
0x81: {  	_ =	swait.ge [sflag:s18], $0x4000  }
0x82: {  	[sflag:s18] =	ssyncset.done $0x0  }
0x83: {  	[sflag:s18] =	ssyncadd.s32 $0xFFFFC000  }
0x84: {  	[tilespmem:s14], [sflag:$0x2] =	stream.indirect.gather [hbm4b:s4+s12], $0x80, s23, s12, $0xb8;
	[tilespmem:$0x1D000] =	vst v63  }
0x85: {  	_ =	swait.ge [sflag:s15], $0x4000  }
0x86: {  	[sflag:s15] =	ssyncset.done $0x0  }
0x87: {  	[sflag:s15] =	ssyncadd.s32 $0xFFFFC000  }
0x88: {  	[spmem:s2] =	stream.indirect.scatter.add.f32 [tilespmem:s13], [sflag:$0x3], $0x80, s24, s12, $0xb8;
	[tilespmem:$0x1D000] =	vst v63  }
0x89: {  	_ =	swait.ge [sflag:s16], $0x4000  }
0x8a: {  	[sflag:s16] =	ssyncset.done $0x0  }
0x8b: {  	[sflag:s16] =	ssyncadd.s32 $0xFFFFC000  }
0x8c: {  	[spmem:s2] =	stream.indirect.scatter.add.f32 [tilespmem:s14], [sflag:$0x4], $0x80, s25, s12, $0xb8;
	[tilespmem:$0x1D000] =	vst v63  }
0x8d: {  	_ =	swait.ge [sflag:s17], $0x4000  }
0x8e: {  	[sflag:s17] =	ssyncset.done $0x0  }
0x8f: {  	[sflag:s17] =	ssyncadd.s32 $0xFFFFC000  }
0x90: {  	[tilespmem:s13], [sflag:$0x1] =	stream.indirect.gather [hbm4b:s4+s12], $0x80, s26, s12, $0xb8;
	[tilespmem:$0x1D000] =	vst v63  }
0x91: {  	_ =	swait.ge [sflag:s18], $0x4000  }
0x92: {  	[sflag:s18] =	ssyncset.done $0x0  }
0x93: {  	[sflag:s18] =	ssyncadd.s32 $0xFFFFC000  }
0x94: {  	[tilespmem:s14], [sflag:$0x2] =	stream.indirect.gather [hbm4b:s4+s12], $0x80, s28, s12, $0xb8;
	[tilespmem:$0x1D000] =	vst v63  }
0x95: {  	_ =	swait.ge [sflag:s15], $0x4000  }
0x96: {  	[sflag:s15] =	ssyncset.done $0x0  }
0x97: {  	[sflag:s15] =	ssyncadd.s32 $0xFFFFC000  }
0x98: {  	[spmem:s2] =	stream.indirect.scatter.add.f32 [tilespmem:s13], [sflag:$0x3], $0x80, s29, s12, $0xb8;
	[tilespmem:$0x1D000] =	vst v63  }
0x99: {  	_ =	swait.ge [sflag:s16], $0x4000  }
0x9a: {  	[sflag:s16] =	ssyncset.done $0x0  }
0x9b: {  	[sflag:s16] =	ssyncadd.s32 $0xFFFFC000  }
0x9c: {  	[spmem:s2] =	stream.indirect.scatter.add.f32 [tilespmem:s14], [sflag:$0x4], $0x80, s30, s12, $0xb8;
	[tilespmem:$0x1D000] =	vst v63  }
0x9d: {  	_ =	swait.ge [sflag:s17], $0x4000  }
0x9e: {  	[sflag:s17] =	ssyncset.done $0x0  }
0x9f: {  	[sflag:s17] =	ssyncadd.s32 $0xFFFFC000  }
0xa0: {  	[tilespmem:s13], [sflag:$0x1] =	stream.indirect.gather [hbm4b:s4+s12], $0x80, s31, s12, $0xb8;
	[tilespmem:$0x1D000] =	vst v63  }
0xa1: {  	_ =	swait.ge [sflag:s18], $0x4000  }
0xa2: {  	[sflag:s18] =	ssyncset.done $0x0  }
0xa3: {  	[sflag:s18] =	ssyncadd.s32 $0xFFFFC000  }
0xa4: {  	[tilespmem:s14], [sflag:$0x2] =	stream.indirect.gather [hbm4b:s4+s12], $0x80, s1, s12, $0xb8;
	[tilespmem:$0x1D000] =	vst v63  }
0xa5: {  	_ =	swait.ge [sflag:s15], $0x4000  }
0xa6: {  	[sflag:s15] =	ssyncset.done $0x0  }
0xa7: {  	[sflag:s15] =	ssyncadd.s32 $0xFFFFC000  }
0xa8: {  	[spmem:s2] =	stream.indirect.scatter.add.f32 [tilespmem:s13], [sflag:$0x3], $0x80, s0, s12, $0xb8;
	[tilespmem:$0x1D000] =	vst v63  }
0xa9: {  	_ =	swait.ge [sflag:s16], $0x4000  }
0xaa: {  	[sflag:s16] =	ssyncset.done $0x0  }
0xab: {  	[sflag:s16] =	ssyncadd.s32 $0xFFFFC000  }
0xac: {  	[spmem:s2] =	stream.indirect.scatter.add.f32 [tilespmem:s14], [sflag:$0x4], $0x80, s5, s12, $0xb8;
	[tilespmem:$0x1D000] =	vst v63  }
0xad: {  	_ =	swait.ge [sflag:s17], $0x4000  }
0xae: {  	[sflag:s17] =	ssyncset.done $0x0  }
0xaf: {  	[sflag:s17] =	ssyncadd.s32 $0xFFFFC000  }
0xb0: {  	s6 =	simm.s32 $0x200;
	_ =	swait.ge [sflag:s18], $0x4000  }
0xb1: {  	s8 =	simm.s32 $0x100;
	s9 =	rddreg [dreg:$0x5];
	[sflag:s18] =	ssyncset.done $0x0  }
.LBB2_2:
0xb2: {  	[sflag:s18] =	ssyncadd.s32 $0xFFFFC000;
	s9 =	sadd.s32 s8, s9  }
0xb3: {  	[tilespmem:s3], [sflag:$0x5] =	stream.linear.gather [hbm4b:s9+s3], $0x800, $0x38;
	[tilespmem:$0x1D000] =	vst v63  }
0xb4: {  	_ =	swait.ge [sflag:s10], $0x800  }
0xb5: {  	s9 =	rddreg [dreg:$0x4];
	[sflag:s10] =	ssyncset.done $0x0  }
0xb6: {  	[sflag:s10] =	ssyncadd.s32 $0xFFFFF800;
	s9 =	sadd.s32 s8, s9  }
0xb7: {  	[tilespmem:s11], [sflag:$0x5] =	stream.linear.gather [hbm4b:s9+s3], $0x800, $0x38;
	[tilespmem:$0x1D000] =	vst v63  }
0xb8: {  	_ =	swait.ge [sflag:s10], $0x800  }
0xb9: {  	[sflag:s10] =	ssyncset.done $0x0  }
0xba: {  	[sflag:s10] =	ssyncadd.s32 $0xFFFFF800  }
0xbb: {  	[tilespmem:s13], [sflag:$0x1] =	stream.indirect.gather [hbm4b:s4+s12], $0x80, s3, s12, $0xb8;
	[tilespmem:$0x1D000] =	vst v63  }
0xbc: {  	_ = 	snop  }
0xbd: {  	[tilespmem:s14], [sflag:$0x2] =	stream.indirect.gather [hbm4b:s4+s12], $0x80, s12, s12, $0xb8;
	[tilespmem:$0x1D000] =	vst v63  }
0xbe: {  	_ =	swait.ge [sflag:s15], $0x4000  }
0xbf: {  	[sflag:s15] =	ssyncset.done $0x0  }
0xc0: {  	[sflag:s15] =	ssyncadd.s32 $0xFFFFC000  }
0xc1: {  	[spmem:s2] =	stream.indirect.scatter.add.f32 [tilespmem:s13], [sflag:$0x3], $0x80, s11, s12, $0xb8;
	[tilespmem:$0x1D000] =	vst v63  }
0xc2: {  	_ =	swait.ge [sflag:s16], $0x4000  }
0xc3: {  	[sflag:s16] =	ssyncset.done $0x0  }
0xc4: {  	s9 =	rddreg [dreg:$0x6];
	[sflag:s16] =	ssyncadd.s32 $0xFFFFC000  }
0xc5: {  	[spmem:s2] =	stream.indirect.scatter.add.f32 [tilespmem:s14], [sflag:$0x4], $0x80, s9, s12, $0xb8;
	[tilespmem:$0x1D000] =	vst v63  }
0xc6: {  	_ =	swait.ge [sflag:s17], $0x4000  }
0xc7: {  	[sflag:s17] =	ssyncset.done $0x0  }
0xc8: {  	s9 =	rddreg [dreg:$0x7];
	[sflag:s17] =	ssyncadd.s32 $0xFFFFC000  }
0xc9: {  	[tilespmem:s13], [sflag:$0x1] =	stream.indirect.gather [hbm4b:s4+s12], $0x80, s9, s12, $0xb8;
	[tilespmem:$0x1D000] =	vst v63  }
0xca: {  	_ =	swait.ge [sflag:s18], $0x4000  }
0xcb: {  	[sflag:s18] =	ssyncset.done $0x0  }
0xcc: {  	s9 =	rddreg [dreg:$0x8];
	[sflag:s18] =	ssyncadd.s32 $0xFFFFC000  }
0xcd: {  	[tilespmem:s14], [sflag:$0x2] =	stream.indirect.gather [hbm4b:s4+s12], $0x80, s9, s12, $0xb8;
	[tilespmem:$0x1D000] =	vst v63  }
0xce: {  	_ =	swait.ge [sflag:s15], $0x4000  }
0xcf: {  	[sflag:s15] =	ssyncset.done $0x0  }
0xd0: {  	s9 =	rddreg [dreg:$0x9];
	[sflag:s15] =	ssyncadd.s32 $0xFFFFC000  }
0xd1: {  	[spmem:s2] =	stream.indirect.scatter.add.f32 [tilespmem:s13], [sflag:$0x3], $0x80, s9, s12, $0xb8;
	[tilespmem:$0x1D000] =	vst v63  }
0xd2: {  	_ =	swait.ge [sflag:s16], $0x4000  }
0xd3: {  	[sflag:s16] =	ssyncset.done $0x0  }
0xd4: {  	s9 =	rddreg [dreg:$0xa];
	[sflag:s16] =	ssyncadd.s32 $0xFFFFC000  }
0xd5: {  	[spmem:s2] =	stream.indirect.scatter.add.f32 [tilespmem:s14], [sflag:$0x4], $0x80, s9, s12, $0xb8;
	[tilespmem:$0x1D000] =	vst v63  }
0xd6: {  	_ =	swait.ge [sflag:s17], $0x4000  }
0xd7: {  	[sflag:s17] =	ssyncset.done $0x0  }
0xd8: {  	s9 =	rddreg [dreg:$0xb];
	[sflag:s17] =	ssyncadd.s32 $0xFFFFC000  }
0xd9: {  	[tilespmem:s13], [sflag:$0x1] =	stream.indirect.gather [hbm4b:s4+s12], $0x80, s9, s12, $0xb8;
	[tilespmem:$0x1D000] =	vst v63  }
0xda: {  	_ =	swait.ge [sflag:s18], $0x4000  }
0xdb: {  	[sflag:s18] =	ssyncset.done $0x0  }
0xdc: {  	s9 =	rddreg [dreg:$0xc];
	[sflag:s18] =	ssyncadd.s32 $0xFFFFC000  }
0xdd: {  	[tilespmem:s14], [sflag:$0x2] =	stream.indirect.gather [hbm4b:s4+s12], $0x80, s9, s12, $0xb8;
	[tilespmem:$0x1D000] =	vst v63  }
0xde: {  	_ =	swait.ge [sflag:s15], $0x4000  }
0xdf: {  	[sflag:s15] =	ssyncset.done $0x0  }
0xe0: {  	s9 =	rddreg [dreg:$0xd];
	[sflag:s15] =	ssyncadd.s32 $0xFFFFC000  }
0xe1: {  	[spmem:s2] =	stream.indirect.scatter.add.f32 [tilespmem:s13], [sflag:$0x3], $0x80, s9, s12, $0xb8;
	[tilespmem:$0x1D000] =	vst v63  }
0xe2: {  	_ =	swait.ge [sflag:s16], $0x4000  }
0xe3: {  	[sflag:s16] =	ssyncset.done $0x0  }
0xe4: {  	s9 =	rddreg [dreg:$0xe];
	[sflag:s16] =	ssyncadd.s32 $0xFFFFC000  }
0xe5: {  	[spmem:s2] =	stream.indirect.scatter.add.f32 [tilespmem:s14], [sflag:$0x4], $0x80, s9, s12, $0xb8;
	[tilespmem:$0x1D000] =	vst v63  }
0xe6: {  	_ =	swait.ge [sflag:s17], $0x4000  }
0xe7: {  	[sflag:s17] =	ssyncset.done $0x0  }
0xe8: {  	s9 =	rddreg [dreg:$0xf];
	[sflag:s17] =	ssyncadd.s32 $0xFFFFC000  }
0xe9: {  	[tilespmem:s13], [sflag:$0x1] =	stream.indirect.gather [hbm4b:s4+s12], $0x80, s9, s12, $0xb8;
	[tilespmem:$0x1D000] =	vst v63  }
0xea: {  	_ =	swait.ge [sflag:s18], $0x4000  }
0xeb: {  	[sflag:s18] =	ssyncset.done $0x0  }
0xec: {  	s9 =	rddreg [dreg:$0x10];
	[sflag:s18] =	ssyncadd.s32 $0xFFFFC000  }
0xed: {  	[tilespmem:s14], [sflag:$0x2] =	stream.indirect.gather [hbm4b:s4+s12], $0x80, s9, s12, $0xb8;
	[tilespmem:$0x1D000] =	vst v63  }
0xee: {  	_ =	swait.ge [sflag:s15], $0x4000  }
0xef: {  	[sflag:s15] =	ssyncset.done $0x0  }
0xf0: {  	s9 =	rddreg [dreg:$0x11];
	[sflag:s15] =	ssyncadd.s32 $0xFFFFC000  }
0xf1: {  	[spmem:s2] =	stream.indirect.scatter.add.f32 [tilespmem:s13], [sflag:$0x3], $0x80, s9, s12, $0xb8;
	[tilespmem:$0x1D000] =	vst v63  }
0xf2: {  	_ =	swait.ge [sflag:s16], $0x4000  }
0xf3: {  	[sflag:s16] =	ssyncset.done $0x0  }
0xf4: {  	s9 =	rddreg [dreg:$0x12];
	[sflag:s16] =	ssyncadd.s32 $0xFFFFC000  }
0xf5: {  	[spmem:s2] =	stream.indirect.scatter.add.f32 [tilespmem:s14], [sflag:$0x4], $0x80, s9, s12, $0xb8;
	[tilespmem:$0x1D000] =	vst v63  }
0xf6: {  	_ =	swait.ge [sflag:s17], $0x4000  }
0xf7: {  	[sflag:s17] =	ssyncset.done $0x0  }
0xf8: {  	s9 =	rddreg [dreg:$0x13];
	[sflag:s17] =	ssyncadd.s32 $0xFFFFC000  }
0xf9: {  	[tilespmem:s13], [sflag:$0x1] =	stream.indirect.gather [hbm4b:s4+s12], $0x80, s9, s12, $0xb8;
	[tilespmem:$0x1D000] =	vst v63  }
0xfa: {  	_ =	swait.ge [sflag:s18], $0x4000  }
0xfb: {  	[sflag:s18] =	ssyncset.done $0x0  }
0xfc: {  	[sflag:s18] =	ssyncadd.s32 $0xFFFFC000  }
0xfd: {  	[tilespmem:s14], [sflag:$0x2] =	stream.indirect.gather [hbm4b:s4+s12], $0x80, s19, s12, $0xb8;
	[tilespmem:$0x1D000] =	vst v63  }
0xfe: {  	_ =	swait.ge [sflag:s15], $0x4000  }
0xff: {  	[sflag:s15] =	ssyncset.done $0x0  }
0x100: {  	[sflag:s15] =	ssyncadd.s32 $0xFFFFC000  }
0x101: {  	[spmem:s2] =	stream.indirect.scatter.add.f32 [tilespmem:s13], [sflag:$0x3], $0x80, s20, s12, $0xb8;
	[tilespmem:$0x1D000] =	vst v63  }
0x102: {  	_ =	swait.ge [sflag:s16], $0x4000  }
0x103: {  	[sflag:s16] =	ssyncset.done $0x0  }
0x104: {  	[sflag:s16] =	ssyncadd.s32 $0xFFFFC000  }
0x105: {  	[spmem:s2] =	stream.indirect.scatter.add.f32 [tilespmem:s14], [sflag:$0x4], $0x80, s21, s12, $0xb8;
	[tilespmem:$0x1D000] =	vst v63  }
0x106: {  	_ =	swait.ge [sflag:s17], $0x4000  }
0x107: {  	[sflag:s17] =	ssyncset.done $0x0  }
0x108: {  	[sflag:s17] =	ssyncadd.s32 $0xFFFFC000  }
0x109: {  	[tilespmem:s13], [sflag:$0x1] =	stream.indirect.gather [hbm4b:s4+s12], $0x80, s22, s12, $0xb8;
	[tilespmem:$0x1D000] =	vst v63  }
0x10a: {  	_ =	swait.ge [sflag:s18], $0x4000  }
0x10b: {  	[sflag:s18] =	ssyncset.done $0x0  }
0x10c: {  	[sflag:s18] =	ssyncadd.s32 $0xFFFFC000  }
0x10d: {  	[tilespmem:s14], [sflag:$0x2] =	stream.indirect.gather [hbm4b:s4+s12], $0x80, s23, s12, $0xb8;
	[tilespmem:$0x1D000] =	vst v63  }
0x10e: {  	_ =	swait.ge [sflag:s15], $0x4000  }
0x10f: {  	[sflag:s15] =	ssyncset.done $0x0  }
0x110: {  	[sflag:s15] =	ssyncadd.s32 $0xFFFFC000  }
0x111: {  	[spmem:s2] =	stream.indirect.scatter.add.f32 [tilespmem:s13], [sflag:$0x3], $0x80, s24, s12, $0xb8;
	[tilespmem:$0x1D000] =	vst v63  }
0x112: {  	_ =	swait.ge [sflag:s16], $0x4000  }
0x113: {  	[sflag:s16] =	ssyncset.done $0x0  }
0x114: {  	[sflag:s16] =	ssyncadd.s32 $0xFFFFC000  }
0x115: {  	[spmem:s2] =	stream.indirect.scatter.add.f32 [tilespmem:s14], [sflag:$0x4], $0x80, s25, s12, $0xb8;
	[tilespmem:$0x1D000] =	vst v63  }
0x116: {  	_ =	swait.ge [sflag:s17], $0x4000  }
0x117: {  	[sflag:s17] =	ssyncset.done $0x0  }
0x118: {  	[sflag:s17] =	ssyncadd.s32 $0xFFFFC000  }
0x119: {  	[tilespmem:s13], [sflag:$0x1] =	stream.indirect.gather [hbm4b:s4+s12], $0x80, s26, s12, $0xb8;
	[tilespmem:$0x1D000] =	vst v63  }
0x11a: {  	_ =	swait.ge [sflag:s18], $0x4000  }
0x11b: {  	[sflag:s18] =	ssyncset.done $0x0  }
0x11c: {  	[sflag:s18] =	ssyncadd.s32 $0xFFFFC000  }
0x11d: {  	[tilespmem:s14], [sflag:$0x2] =	stream.indirect.gather [hbm4b:s4+s12], $0x80, s28, s12, $0xb8;
	[tilespmem:$0x1D000] =	vst v63  }
0x11e: {  	_ =	swait.ge [sflag:s15], $0x4000  }
0x11f: {  	[sflag:s15] =	ssyncset.done $0x0  }
0x120: {  	[sflag:s15] =	ssyncadd.s32 $0xFFFFC000  }
0x121: {  	[spmem:s2] =	stream.indirect.scatter.add.f32 [tilespmem:s13], [sflag:$0x3], $0x80, s29, s12, $0xb8;
	[tilespmem:$0x1D000] =	vst v63  }
0x122: {  	_ =	swait.ge [sflag:s16], $0x4000  }
0x123: {  	[sflag:s16] =	ssyncset.done $0x0  }
0x124: {  	[sflag:s16] =	ssyncadd.s32 $0xFFFFC000  }
0x125: {  	[spmem:s2] =	stream.indirect.scatter.add.f32 [tilespmem:s14], [sflag:$0x4], $0x80, s30, s12, $0xb8;
	[tilespmem:$0x1D000] =	vst v63  }
0x126: {  	_ =	swait.ge [sflag:s17], $0x4000  }
0x127: {  	[sflag:s17] =	ssyncset.done $0x0  }
0x128: {  	[sflag:s17] =	ssyncadd.s32 $0xFFFFC000  }
0x129: {  	[tilespmem:s13], [sflag:$0x1] =	stream.indirect.gather [hbm4b:s4+s12], $0x80, s31, s12, $0xb8;
	[tilespmem:$0x1D000] =	vst v63  }
0x12a: {  	_ =	swait.ge [sflag:s18], $0x4000  }
0x12b: {  	[sflag:s18] =	ssyncset.done $0x0  }
0x12c: {  	[sflag:s18] =	ssyncadd.s32 $0xFFFFC000  }
0x12d: {  	[tilespmem:s14], [sflag:$0x2] =	stream.indirect.gather [hbm4b:s4+s12], $0x80, s1, s12, $0xb8;
	[tilespmem:$0x1D000] =	vst v63  }
0x12e: {  	_ =	swait.ge [sflag:s15], $0x4000  }
0x12f: {  	[sflag:s15] =	ssyncset.done $0x0  }
0x130: {  	[sflag:s15] =	ssyncadd.s32 $0xFFFFC000  }
0x131: {  	[spmem:s2] =	stream.indirect.scatter.add.f32 [tilespmem:s13], [sflag:$0x3], $0x80, s0, s12, $0xb8;
	[tilespmem:$0x1D000] =	vst v63  }
0x132: {  	_ =	swait.ge [sflag:s16], $0x4000  }
0x133: {  	[sflag:s16] =	ssyncset.done $0x0  }
0x134: {  	p0 =	sne.s32 s6, $0x900;
	[sflag:s16] =	ssyncadd.s32 $0xFFFFC000  }
0x135: {  	[spmem:s2] =	stream.indirect.scatter.add.f32 [tilespmem:s14], [sflag:$0x4], $0x80, s5, s12, $0xb8;
	[tilespmem:$0x1D000] =	vst v63  }
.Ltmp0:
0x136: {  	_ =	swait.ge [sflag:s17], $0x4000;
	(pc) =	sbr.rel @p0 .LBB2_2-.Ltmp0, $4  }
0x137: {  	[sflag:s17] =	ssyncset.done $0x0  }
0x138: {  	[sflag:s17] =	ssyncadd.s32 $0xFFFFC000  }
0x139: {  	s7 =	smov.u32 s6;
	s6 =	sadd.s32 $0x100, s6;
	_ =	swait.ge [sflag:s18], $0x4000  }
0x13a: {  	s8 =	smov.u32 s7;
	s9 =	rddreg [dreg:$0x5];
	[sflag:s18] =	ssyncset.done $0x0  }
0x13b: {  	[sflag:s18] =	ssyncadd.s32 $0xFFFFC000;
	s6 =	sadd.s32 s8, s9  }
0x13c: {  	[tilespmem:s3], [sflag:$0x5] =	stream.linear.gather [hbm4b:s6+s3], $0x800, $0x38;
	[tilespmem:$0x1D000] =	vst v63  }
0x13d: {  	_ =	swait.ge [sflag:s10], $0x800  }
0x13e: {  	s9 =	rddreg [dreg:$0x4];
	[sflag:s10] =	ssyncset.done $0x0  }
0x13f: {  	s6 =	sadd.s32 s8, s9;
	[sflag:s10] =	ssyncadd.s32 $0xFFFFF800  }
0x140: {  	[tilespmem:s11], [sflag:$0x5] =	stream.linear.gather [hbm4b:s6+s3], $0x800, $0x38;
	[tilespmem:$0x1D000] =	vst v63  }
0x141: {  	_ =	swait.ge [sflag:s10], $0x800  }
0x142: {  	[sflag:s10] =	ssyncset.done $0x0  }
0x143: {  	[sflag:s10] =	ssyncadd.s32 $0xFFFFF800  }
0x144: {  	[tilespmem:s13], [sflag:$0x1] =	stream.indirect.gather [hbm4b:s4+s12], $0x80, s3, s12, $0xb8;
	[tilespmem:$0x1D000] =	vst v63  }
0x145: {  	_ = 	snop  }
0x146: {  	[tilespmem:s14], [sflag:$0x2] =	stream.indirect.gather [hbm4b:s4+s12], $0x80, s12, s12, $0xb8;
	[tilespmem:$0x1D000] =	vst v63  }
0x147: {  	_ =	swait.ge [sflag:s15], $0x4000  }
0x148: {  	[sflag:s15] =	ssyncset.done $0x0  }
0x149: {  	[sflag:s15] =	ssyncadd.s32 $0xFFFFC000  }
0x14a: {  	[spmem:s2] =	stream.indirect.scatter.add.f32 [tilespmem:s13], [sflag:$0x3], $0x80, s11, s12, $0xb8;
	[tilespmem:$0x1D000] =	vst v63  }
0x14b: {  	_ =	swait.ge [sflag:s16], $0x4000  }
0x14c: {  	[sflag:s16] =	ssyncset.done $0x0  }
0x14d: {  	s7 =	rddreg [dreg:$0x6];
	[sflag:s16] =	ssyncadd.s32 $0xFFFFC000  }
0x14e: {  	[spmem:s2] =	stream.indirect.scatter.add.f32 [tilespmem:s14], [sflag:$0x4], $0x80, s7, s12, $0xb8;
	[tilespmem:$0x1D000] =	vst v63  }
0x14f: {  	_ =	swait.ge [sflag:s17], $0x4000  }
0x150: {  	[sflag:s17] =	ssyncset.done $0x0  }
0x151: {  	s8 =	rddreg [dreg:$0x7];
	[sflag:s17] =	ssyncadd.s32 $0xFFFFC000  }
0x152: {  	[tilespmem:s13], [sflag:$0x1] =	stream.indirect.gather [hbm4b:s4+s12], $0x80, s8, s12, $0xb8;
	[tilespmem:$0x1D000] =	vst v63  }
0x153: {  	_ =	swait.ge [sflag:s18], $0x4000  }
0x154: {  	[sflag:s18] =	ssyncset.done $0x0  }
0x155: {  	s9 =	rddreg [dreg:$0x8];
	[sflag:s18] =	ssyncadd.s32 $0xFFFFC000  }
0x156: {  	[tilespmem:s14], [sflag:$0x2] =	stream.indirect.gather [hbm4b:s4+s12], $0x80, s9, s12, $0xb8;
	[tilespmem:$0x1D000] =	vst v63  }
0x157: {  	_ =	swait.ge [sflag:s15], $0x4000  }
0x158: {  	[sflag:s15] =	ssyncset.done $0x0  }
0x159: {  	s7 =	rddreg [dreg:$0x9];
	[sflag:s15] =	ssyncadd.s32 $0xFFFFC000  }
0x15a: {  	[spmem:s2] =	stream.indirect.scatter.add.f32 [tilespmem:s13], [sflag:$0x3], $0x80, s7, s12, $0xb8;
	[tilespmem:$0x1D000] =	vst v63  }
0x15b: {  	_ =	swait.ge [sflag:s16], $0x4000  }
0x15c: {  	[sflag:s16] =	ssyncset.done $0x0  }
0x15d: {  	s8 =	rddreg [dreg:$0xa];
	[sflag:s16] =	ssyncadd.s32 $0xFFFFC000  }
0x15e: {  	[spmem:s2] =	stream.indirect.scatter.add.f32 [tilespmem:s14], [sflag:$0x4], $0x80, s8, s12, $0xb8;
	[tilespmem:$0x1D000] =	vst v63  }
0x15f: {  	_ =	swait.ge [sflag:s17], $0x4000  }
0x160: {  	[sflag:s17] =	ssyncset.done $0x0  }
0x161: {  	s9 =	rddreg [dreg:$0xb];
	[sflag:s17] =	ssyncadd.s32 $0xFFFFC000  }
0x162: {  	[tilespmem:s13], [sflag:$0x1] =	stream.indirect.gather [hbm4b:s4+s12], $0x80, s9, s12, $0xb8;
	[tilespmem:$0x1D000] =	vst v63  }
0x163: {  	_ =	swait.ge [sflag:s18], $0x4000  }
0x164: {  	[sflag:s18] =	ssyncset.done $0x0  }
0x165: {  	s7 =	rddreg [dreg:$0xc];
	[sflag:s18] =	ssyncadd.s32 $0xFFFFC000  }
0x166: {  	[tilespmem:s14], [sflag:$0x2] =	stream.indirect.gather [hbm4b:s4+s12], $0x80, s7, s12, $0xb8;
	[tilespmem:$0x1D000] =	vst v63  }
0x167: {  	_ =	swait.ge [sflag:s15], $0x4000  }
0x168: {  	[sflag:s15] =	ssyncset.done $0x0  }
0x169: {  	s8 =	rddreg [dreg:$0xd];
	[sflag:s15] =	ssyncadd.s32 $0xFFFFC000  }
0x16a: {  	[spmem:s2] =	stream.indirect.scatter.add.f32 [tilespmem:s13], [sflag:$0x3], $0x80, s8, s12, $0xb8;
	[tilespmem:$0x1D000] =	vst v63  }
0x16b: {  	_ =	swait.ge [sflag:s16], $0x4000  }
0x16c: {  	[sflag:s16] =	ssyncset.done $0x0  }
0x16d: {  	s9 =	rddreg [dreg:$0xe];
	[sflag:s16] =	ssyncadd.s32 $0xFFFFC000  }
0x16e: {  	[spmem:s2] =	stream.indirect.scatter.add.f32 [tilespmem:s14], [sflag:$0x4], $0x80, s9, s12, $0xb8;
	[tilespmem:$0x1D000] =	vst v63  }
0x16f: {  	_ =	swait.ge [sflag:s17], $0x4000  }
0x170: {  	[sflag:s17] =	ssyncset.done $0x0  }
0x171: {  	s7 =	rddreg [dreg:$0xf];
	[sflag:s17] =	ssyncadd.s32 $0xFFFFC000  }
0x172: {  	[tilespmem:s13], [sflag:$0x1] =	stream.indirect.gather [hbm4b:s4+s12], $0x80, s7, s12, $0xb8;
	[tilespmem:$0x1D000] =	vst v63  }
0x173: {  	_ =	swait.ge [sflag:s18], $0x4000  }
0x174: {  	[sflag:s18] =	ssyncset.done $0x0  }
0x175: {  	s8 =	rddreg [dreg:$0x10];
	[sflag:s18] =	ssyncadd.s32 $0xFFFFC000  }
0x176: {  	[tilespmem:s14], [sflag:$0x2] =	stream.indirect.gather [hbm4b:s4+s12], $0x80, s8, s12, $0xb8;
	[tilespmem:$0x1D000] =	vst v63  }
0x177: {  	_ =	swait.ge [sflag:s15], $0x4000  }
0x178: {  	[sflag:s15] =	ssyncset.done $0x0  }
0x179: {  	s9 =	rddreg [dreg:$0x11];
	[sflag:s15] =	ssyncadd.s32 $0xFFFFC000  }
0x17a: {  	[spmem:s2] =	stream.indirect.scatter.add.f32 [tilespmem:s13], [sflag:$0x3], $0x80, s9, s12, $0xb8;
	[tilespmem:$0x1D000] =	vst v63  }
0x17b: {  	_ =	swait.ge [sflag:s16], $0x4000  }
0x17c: {  	[sflag:s16] =	ssyncset.done $0x0  }
0x17d: {  	s7 =	rddreg [dreg:$0x12];
	[sflag:s16] =	ssyncadd.s32 $0xFFFFC000  }
0x17e: {  	[spmem:s2] =	stream.indirect.scatter.add.f32 [tilespmem:s14], [sflag:$0x4], $0x80, s7, s12, $0xb8;
	[tilespmem:$0x1D000] =	vst v63  }
0x17f: {  	_ =	swait.ge [sflag:s17], $0x4000  }
0x180: {  	[sflag:s17] =	ssyncset.done $0x0  }
0x181: {  	s8 =	rddreg [dreg:$0x13];
	[sflag:s17] =	ssyncadd.s32 $0xFFFFC000  }
0x182: {  	[tilespmem:s13], [sflag:$0x1] =	stream.indirect.gather [hbm4b:s4+s12], $0x80, s8, s12, $0xb8;
	[tilespmem:$0x1D000] =	vst v63  }
0x183: {  	_ =	swait.ge [sflag:s18], $0x4000  }
0x184: {  	[sflag:s18] =	ssyncset.done $0x0  }
0x185: {  	[sflag:s18] =	ssyncadd.s32 $0xFFFFC000  }
0x186: {  	[tilespmem:s14], [sflag:$0x2] =	stream.indirect.gather [hbm4b:s4+s12], $0x80, s19, s12, $0xb8;
	[tilespmem:$0x1D000] =	vst v63  }
0x187: {  	_ =	swait.ge [sflag:s15], $0x4000  }
0x188: {  	[sflag:s15] =	ssyncset.done $0x0  }
0x189: {  	[sflag:s15] =	ssyncadd.s32 $0xFFFFC000  }
0x18a: {  	[spmem:s2] =	stream.indirect.scatter.add.f32 [tilespmem:s13], [sflag:$0x3], $0x80, s20, s12, $0xb8;
	[tilespmem:$0x1D000] =	vst v63  }
0x18b: {  	_ =	swait.ge [sflag:s16], $0x4000  }
0x18c: {  	[sflag:s16] =	ssyncset.done $0x0  }
0x18d: {  	[sflag:s16] =	ssyncadd.s32 $0xFFFFC000  }
0x18e: {  	[spmem:s2] =	stream.indirect.scatter.add.f32 [tilespmem:s14], [sflag:$0x4], $0x80, s21, s12, $0xb8;
	[tilespmem:$0x1D000] =	vst v63  }
0x18f: {  	_ =	swait.ge [sflag:s17], $0x4000  }
0x190: {  	[sflag:s17] =	ssyncset.done $0x0  }
0x191: {  	[sflag:s17] =	ssyncadd.s32 $0xFFFFC000  }
0x192: {  	[tilespmem:s13], [sflag:$0x1] =	stream.indirect.gather [hbm4b:s4+s12], $0x80, s22, s12, $0xb8;
	[tilespmem:$0x1D000] =	vst v63  }
0x193: {  	_ =	swait.ge [sflag:s18], $0x4000  }
0x194: {  	[sflag:s18] =	ssyncset.done $0x0  }
0x195: {  	[sflag:s18] =	ssyncadd.s32 $0xFFFFC000  }
0x196: {  	[tilespmem:s14], [sflag:$0x2] =	stream.indirect.gather [hbm4b:s4+s12], $0x80, s23, s12, $0xb8;
	[tilespmem:$0x1D000] =	vst v63  }
0x197: {  	_ =	swait.ge [sflag:s15], $0x4000  }
0x198: {  	[sflag:s15] =	ssyncset.done $0x0  }
0x199: {  	[sflag:s15] =	ssyncadd.s32 $0xFFFFC000  }
0x19a: {  	[spmem:s2] =	stream.indirect.scatter.add.f32 [tilespmem:s13], [sflag:$0x3], $0x80, s24, s12, $0xb8;
	[tilespmem:$0x1D000] =	vst v63  }
0x19b: {  	_ =	swait.ge [sflag:s16], $0x4000  }
0x19c: {  	[sflag:s16] =	ssyncset.done $0x0  }
0x19d: {  	[sflag:s16] =	ssyncadd.s32 $0xFFFFC000  }
0x19e: {  	[spmem:s2] =	stream.indirect.scatter.add.f32 [tilespmem:s14], [sflag:$0x4], $0x80, s25, s12, $0xb8;
	[tilespmem:$0x1D000] =	vst v63  }
0x19f: {  	_ =	swait.ge [sflag:s17], $0x4000  }
0x1a0: {  	[sflag:s17] =	ssyncset.done $0x0  }
0x1a1: {  	[sflag:s17] =	ssyncadd.s32 $0xFFFFC000  }
0x1a2: {  	[tilespmem:s13], [sflag:$0x1] =	stream.indirect.gather [hbm4b:s4+s12], $0x80, s26, s12, $0xb8;
	[tilespmem:$0x1D000] =	vst v63  }
0x1a3: {  	_ =	swait.ge [sflag:s18], $0x4000  }
0x1a4: {  	[sflag:s18] =	ssyncset.done $0x0  }
0x1a5: {  	[sflag:s18] =	ssyncadd.s32 $0xFFFFC000  }
0x1a6: {  	[tilespmem:s14], [sflag:$0x2] =	stream.indirect.gather [hbm4b:s4+s12], $0x80, s28, s12, $0xb8;
	[tilespmem:$0x1D000] =	vst v63  }
0x1a7: {  	_ =	swait.ge [sflag:s15], $0x4000  }
0x1a8: {  	[sflag:s15] =	ssyncset.done $0x0  }
0x1a9: {  	[sflag:s15] =	ssyncadd.s32 $0xFFFFC000  }
0x1aa: {  	[spmem:s2] =	stream.indirect.scatter.add.f32 [tilespmem:s13], [sflag:$0x3], $0x80, s29, s12, $0xb8;
	[tilespmem:$0x1D000] =	vst v63  }
0x1ab: {  	_ =	swait.ge [sflag:s16], $0x4000  }
0x1ac: {  	[sflag:s16] =	ssyncset.done $0x0  }
0x1ad: {  	[sflag:s16] =	ssyncadd.s32 $0xFFFFC000  }
0x1ae: {  	[spmem:s2] =	stream.indirect.scatter.add.f32 [tilespmem:s14], [sflag:$0x4], $0x80, s30, s12, $0xb8;
	[tilespmem:$0x1D000] =	vst v63  }
0x1af: {  	_ =	swait.ge [sflag:s17], $0x4000  }
0x1b0: {  	[sflag:s17] =	ssyncset.done $0x0  }
0x1b1: {  	[sflag:s17] =	ssyncadd.s32 $0xFFFFC000  }
0x1b2: {  	[tilespmem:s13], [sflag:$0x1] =	stream.indirect.gather [hbm4b:s4+s12], $0x80, s31, s12, $0xb8;
	[tilespmem:$0x1D000] =	vst v63  }
0x1b3: {  	_ =	swait.ge [sflag:s18], $0x4000  }
0x1b4: {  	[sflag:s18] =	ssyncset.done $0x0  }
0x1b5: {  	[sflag:s18] =	ssyncadd.s32 $0xFFFFC000  }
0x1b6: {  	[tilespmem:s14], [sflag:$0x2] =	stream.indirect.gather [hbm4b:s4+s12], $0x80, s1, s12, $0xb8;
	[tilespmem:$0x1D000] =	vst v63  }
0x1b7: {  	_ =	swait.ge [sflag:s15], $0x4000  }
0x1b8: {  	[sflag:s15] =	ssyncset.done $0x0  }
0x1b9: {  	[sflag:s15] =	ssyncadd.s32 $0xFFFFC000  }
0x1ba: {  	[spmem:s2] =	stream.indirect.scatter.add.f32 [tilespmem:s13], [sflag:$0x3], $0x80, s0, s12, $0xb8;
	[tilespmem:$0x1D000] =	vst v63  }
0x1bb: {  	_ =	swait.ge [sflag:s16], $0x4000  }
0x1bc: {  	[sflag:s16] =	ssyncset.done $0x0  }
0x1bd: {  	[sflag:s16] =	ssyncadd.s32 $0xFFFFC000  }
0x1be: {  	[spmem:s2] =	stream.indirect.scatter.add.f32 [tilespmem:s14], [sflag:$0x4], $0x80, s5, s12, $0xb8;
	[tilespmem:$0x1D000] =	vst v63  }
0x1bf: {  	_ =	swait.ge [sflag:s17], $0x4000  }
0x1c0: {  	[sflag:s17] =	ssyncset.done $0x0  }
0x1c1: {  	[sflag:s17] =	ssyncadd.s32 $0xFFFFC000  }
0x1c2: {  	_ =	swait.ge [sflag:s18], $0x4000  }
0x1c3: {  	[sflag:s18] =	ssyncset.done $0x0  }
0x1c4: {  	[sflag:s18] =	ssyncadd.s32 $0xFFFFC000  }
0x1c5: {  	[bflag:$0x0] =	sbarrier.arrive $0xFFFF  }
0x1c6: {  	s7 =	rddreg [dreg:$0x15]  }
0x1c7: {  	s9 =	rddreg [dreg:$0x16]  }
0x1c8: {  	s8 =	rddreg [dreg:$0x18]  }
0x1c9: {  	[hbm:s9], [sflag:s7] =	dma.local [spmem:s8], $0x2800  }
0x1ca: {  	_ =	swait.ge [sflag:s10], $0x2800  }
0x1cb: {  	s6 =	rddreg [dreg:$0x19]  }
0x1cc: {  	s9 =	sadd.s32 $0x1, s6;
	s6 =	rddreg [dreg:$0x17]  }
0x1cd: {  	p0 =	sne.s32 s9, s6  }
.Ltmp1:
0x1ce: {  	_ = 	snop;
	(pc) =	sbr.rel @p0 .LBB2_1-.Ltmp1, $3  }
0x1cf: {  	_ =	sdelay $0x1  }
0x1d0: {  	[sflag:s10] =	ssyncset.done $0x0  }
0x1d1: {  	[sflag:s10] =	ssyncadd.s32 $0xFFFFD800  }
0x1d2: {  	_ =	sfence.sel $0x180000  }
0x1d3: {  	[bflag:$0x0] =	sbarrier.arrive $0xFFFF  }
0x1d4: {  	_ =	strace $0x9000004A  }
0x1d5: {  	s0 =	stileid.u32;
	[bflag:$0x2] =	sbarrier.arrive $0xFFFF  }
0x1d6: {  	p0 =	sne.s32 s0, $0x0;
	s0 =	rddreg [dreg:$0x3]  }
0x1d7: {  	s0 =	sadd.s32 @!p0 $0x100000, s0  }
0x1d8: {  	[sflag:s0] =	ssyncadd.tile.s32 @!p0 $0x1;
	_ =	shalt  }
.Lfunc_end2:
_tile_overlayer_lowered:
.L_overlay_start_2:
0x1d9: {  	(tag) =	ssettag $0x2  }
0x1da: {  	s0 =	rddreg [dreg:$0x0];
	s2 =	stileid.u32  }
0x1db: {  	s1 =	rddreg [dreg:$0x1];
	p0 =	sne.s32 s2, $0x0  }
0x1dc: {  	s3 =	rddreg [dreg:$0x2];
	[bflag:$0x3] =	sbarrier.arrive $0xFFFF;
	s2 =	simm.s32 @!p0 $0x1C05  }
0x1dd: {  	[timem:s3], [sflag:s2] =	dma.local @!p0 [hbm:s0], s1  }
0x1de: {  	s0 =	simm.s32 @!p0 $0x5  }
0x1df: {  	_ =	swait.ge @!p0 [sflag:s0], s1  }
0x1e0: {  	s1 =	ssub.s32 @!p0 $0x0, s1;
	[sflag:s0] =	ssyncset.done @!p0 $0x0  }
0x1e1: {  	[sflag:s0] =	ssyncadd.s32 @!p0 s1  }
0x1e2: {  	[bflag:$0x3] =	sbarrier.arrive $0xFFFF  }
0x1e3: {  	_ =	shalt  }

// kernel: kernel.15.cloned.1.call-start
scs
__scs_entry_jumppad:
0x0: {  	(pc) =	sbr.rel $0x88, $3  }
0x1: {  	(tag) =	ssettag $0x0;
	lr =	simm.s32 $0x1  }
0x2: {  	[smem:$0x3F9B] =	sst lr;
	_ =	strace $0xD0000000  }
0x3: {  	_ = 	snop  }
0x4: {  	_ = 	snop  }
0x5: {  	_ = 	snop  }
0x6: {  	_ = 	snop  }
0x7: {  	_ = 	snop  }
__scs_overlays_trampoline_lowered:
0x8: {  	[smem:$0x3FAA] =	sst s0  }
0x9: {  	[smem:$0x3FAB] =	sst s1  }
0xa: {  	[smem:$0x3FAC] =	sst s2  }
0xb: {  	[smem:$0x3FAD] =	sst s3  }
0xc: {  	[smem:$0x3FAE] =	sst s4  }
0xd: {  	[smem:$0x3FAF] =	sst s5  }
0xe: {  	[smem:$0x3FB0] =	sst s6  }
0xf: {  	[smem:$0x3FB1] =	sst s7  }
0x10: {  	[smem:$0x3FB2] =	sst s8  }
0x11: {  	[smem:$0x3FB3] =	sst s9;
	s0 =	simm.s32 @!p0 $0x0  }
0x12: {  	s1 =	sld [smem:$0x3F99];
	s0 =	simm.s32 @p0 $0x1  }
0x13: {  	[smem:$0x3FB4] =	sst s0;
	s0 =	simm.s32 @!p1 $0x0  }
0x14: {  	s2 =	sld [smem:$0x3F98];
	s0 =	simm.s32 @p1 $0x1  }
0x15: {  	[smem:$0x3FB5] =	sst s0;
	s0 =	simm.s32 @!p2 $0x0  }
0x16: {  	s3 =	sld [smem:$0x3FDB];
	s0 =	simm.s32 @p2 $0x1  }
0x17: {  	s4 =	simm.s32 $0x1BF5;
	[smem:$0x3FB7] =	sst s0  }
0x18: {  	s0 =	sld [smem:$0x3F9A];
	_ =	swait.ge [sflag:s4], $0x0  }
0x19: {  	s7 =	sld [smem:$0x3F9B]  }
0x1a: {  	s8 =	sadd.s32 $0xFFFFE003, lr  }
0x1b: {  	s9 =	sadd.s32 $0xFFFFFEF7, lr;
	s5 =	simm.s32 $0xFFFFFFFF;
	p2 =	slt.u32 s8, $0xFFFFF086  }
0x1c: {  	p1 =	slt.u32 s9, $0xF7A;
	s5 =	simm.s32 @!p2 $0x0  }
0x1d: {  	s5 =	simm.s32 @p1 $0x1;
	p0 =	seq.s32 s7, s2  }
0x1e: {  	s7 =	smul.u32 @!p0 $0xF7A, s2;
	p2 =	seq.s32 @!p0 s5, $0x0  }
0x1f: {  	s9 =	smul.u32 $0xF7A, s1;
	s8 =	simm.s32 @!p0 $0x1BF5;
	p2 =	por !p2, p0  }
0x20: {  	[sflag:s8] =	ssyncset.s32 @!p0 $0xFFFFF086;
	s6 =	sadd.s32 @!p0 s3, s7;
	s7 =	simm.s32 @!p0 $0x108  }
0x21: {  	s3 =	sadd.s32 s3, s9;
	s6 =	sadd.s32 @!p0 $0x88, s6;
	s7 =	simm.s32 @p2 $0x1082  }
0x22: {  	[simem:s7], [sflag:s8] =	dma.local @!p0 [hbm:s6], $0xF7A  }
0x23: {  	s9 =	sor.u32 $0xD0000000, s2;
	s6 =	simm.s32 $0x108;
	_ =	swait.ge @!p0 [sflag:s8], $0x0  }
0x24: {  	s3 =	sadd.s32 $0x88, s3;
	s6 =	simm.s32 @!p1 $0x1082;
	[sflag:s4] =	ssyncset.s32 $0xFFFFF086  }
0x25: {  	[simem:s6], [sflag:s4] =	dma.local [hbm:s3], $0xF7A  }
0x26: {  	[smem:$0x3F9B] =	sst s1;
	(tag) =	ssettag s2;
	_ =	strace s9  }
0x27: {  	s1 =	sld [smem:$0x3FAB]  }
0x28: {  	s2 =	sld [smem:$0x3FAC]  }
0x29: {  	s4 =	sld [smem:$0x3FAE]  }
0x2a: {  	p0 =	seq.s32 s5, $0x0;
	s5 =	sld [smem:$0x3FAF]  }
0x2b: {  	s6 =	sld [smem:$0x3FB0]  }
0x2c: {  	s7 =	sld [smem:$0x3FB1]  }
0x2d: {  	s3 =	simm.s32 $0x108;
	s8 =	sld [smem:$0x3FB2]  }
0x2e: {  	s3 =	simm.s32 @!p0 $0x1082;
	s9 =	sld [smem:$0x3FB3]  }
0x2f: {  	lr =	sadd.s32 s0, s3;
	s0 =	sld [smem:$0x3FAA]  }
0x30: {  	s3 =	sld [smem:$0x3FAD]  }
0x31: {  	[smem:$0x3FB6] =	sst s10  }
0x32: {  	s10 =	sld [smem:$0x3FB4];
	_ =	sdelay $0x3  }
0x33: {  	p0 =	seq.s32 s10, $0x1;
	s10 =	sld [smem:$0x3FB6];
	_ =	sdelay $0x3  }
0x34: {  	[smem:$0x3FB6] =	sst s10  }
0x35: {  	s10 =	sld [smem:$0x3FB5];
	_ =	sdelay $0x3  }
0x36: {  	p1 =	seq.s32 s10, $0x1;
	s10 =	sld [smem:$0x3FB6];
	_ =	sdelay $0x3  }
0x37: {  	[smem:$0x3FB6] =	sst s10  }
0x38: {  	s10 =	sld [smem:$0x3FB7]  }
0x39: {  	_ = 	snop;
	(pc) =	sbr.ind lr, $3  }
0x3a: {  	_ = 	snop  }
0x3b: {  	_ = 	snop  }
0x3c: {  	p2 =	seq.s32 s10, $0x1;
	s10 =	sld [smem:$0x3FB6]  }
0x3d: {  	_ =	shalt  }
0x3e: {  	_ =	shalt  }
0x3f: {  	_ =	shalt  }
0x40: {  	_ =	shalt  }
0x41: {  	_ =	shalt  }
0x42: {  	_ =	shalt  }
0x43: {  	_ =	shalt  }
0x44: {  	_ =	shalt  }
0x45: {  	_ =	shalt  }
0x46: {  	_ =	shalt  }
0x47: {  	_ =	shalt  }
0x48: {  	_ =	shalt  }
0x49: {  	_ =	shalt  }
0x4a: {  	_ =	shalt  }
0x4b: {  	_ =	shalt  }
0x4c: {  	_ =	shalt  }
0x4d: {  	_ =	shalt  }
0x4e: {  	_ =	shalt  }
0x4f: {  	_ =	shalt  }
0x50: {  	_ =	shalt  }
0x51: {  	_ =	shalt  }
0x52: {  	_ =	shalt  }
0x53: {  	_ =	shalt  }
0x54: {  	_ =	shalt  }
0x55: {  	_ =	shalt  }
0x56: {  	_ =	shalt  }
0x57: {  	_ =	shalt  }
0x58: {  	_ =	shalt  }
0x59: {  	_ =	shalt  }
0x5a: {  	_ =	shalt  }
0x5b: {  	_ =	shalt  }
0x5c: {  	_ =	shalt  }
0x5d: {  	_ =	shalt  }
0x5e: {  	_ =	shalt  }
0x5f: {  	_ =	shalt  }
0x60: {  	_ =	shalt  }
0x61: {  	_ =	shalt  }
0x62: {  	_ =	shalt  }
0x63: {  	_ =	shalt  }
0x64: {  	_ =	shalt  }
0x65: {  	_ =	shalt  }
0x66: {  	_ =	shalt  }
0x67: {  	_ =	shalt  }
0x68: {  	_ =	shalt  }
0x69: {  	_ =	shalt  }
0x6a: {  	_ =	shalt  }
0x6b: {  	_ =	shalt  }
0x6c: {  	_ =	shalt  }
0x6d: {  	_ =	shalt  }
0x6e: {  	_ =	shalt  }
0x6f: {  	_ =	shalt  }
0x70: {  	_ =	shalt  }
0x71: {  	_ =	shalt  }
0x72: {  	_ =	shalt  }
0x73: {  	_ =	shalt  }
0x74: {  	_ =	shalt  }
0x75: {  	_ =	shalt  }
0x76: {  	_ =	shalt  }
0x77: {  	_ =	shalt  }
0x78: {  	_ =	shalt  }
0x79: {  	_ =	shalt  }
0x7a: {  	_ =	shalt  }
0x7b: {  	_ =	shalt  }
0x7c: {  	_ =	shalt  }
0x7d: {  	_ =	shalt  }
0x7e: {  	_ =	shalt  }
0x7f: {  	_ =	shalt  }
0x80: {  	_ =	shalt  }
0x81: {  	_ =	shalt  }
0x82: {  	_ =	shalt  }
0x83: {  	_ =	shalt  }
0x84: {  	_ =	shalt  }
0x85: {  	_ =	shalt  }
0x86: {  	_ =	shalt  }
0x87: {  	_ =	shalt  }
.Lfunc_end0:
.L_simem_size_0:
called_computation.2_lowered:
.L_overlay_start_0:
0x88: {  	s2 =	sld [smem:$0x3FD9]  }
0x89: {  	s3 =	sld [smem:$0x3FFE];
	_ =	sdelay $0x1  }
0x8a: {  	s1 =	srdreg.scid  }
0x8b: {  	s0 =	sand.u32 $0x1, s1  }
0x8c: {  	s16 =	sshll.u32 s0, $0xA;
	s2 =	sadd.s32 s3, s2  }
0x8d: {  	s2 =	sadd.s32 s2, s16  }
0x8e: {  	[smem:$0x3FC2] =	sst s2  }
0x8f: {  	_ = 	snop  }
0x90: {  	(tm) =	ssettm $0x1  }
0x91: {  	s17 =	sld [smem:$0x3FFB];
	_ =	sdelay $0x3  }
0x92: {  	_ =	strace s17  }
0x93: {  	s2 =	sld [smem:$0x3FFC];
	_ =	sdelay $0x3  }
0x94: {  	_ =	strace s2  }
0x95: {  	s2 =	sld [smem:$0x3FFD];
	_ =	sdelay $0x3  }
0x96: {  	_ =	strace s2  }
0x97: {  	_ =	strace $0x8FFFFFFF  }
0x98: {  	s18 =	sld [smem:$0x3FDB];
	_ =	sdelay $0x1  }
0x99: {  	s19 =	simm.s32 $_scs_section_size  }
0x9a: {  	s4 =	simm.s32 $_size__tile_overlayer_lowered;
	s5 =	simm.s32 $_tile_overlayer_lowered  }
0x9b: {  	s22 =	simm.s32 $0x1BFF;
	s21 =	sshll.u32 s5, $0x1;
	s2 =	sadd.s32 s19, s18  }
0x9c: {  	s6 =	simm.s32 $0x0;
	s20 =	sshll.u32 s4, $0x1;
	s4 =	sadd.s32 s21, s2  }
0x9d: {  	[timem:s6], [sflag:s22] =	dma.local [hbm:s4], s20  }
0x9e: {  	_ =	swait.ge [sflag:s22], s20  }
0x9f: {  	s3 =	ssub.s32 $0x0, s20;
	[sflag:s22] =	ssyncset.done $0x0  }
0xa0: {  	[sflag:s22] =	ssyncadd.s32 s3;
	_ =	sdelay $0x1  }
0xa1: {  	s23 =	simm.s32 $0x1B8B  }
0xa2: {  	_ =	swait.ge [sflag:s23], $0x1  }
0xa3: {  	[sflag:s23] =	ssyncset.done $0x0  }
0xa4: {  	s25 =	simm.s32 $0x1B8E;
	s24 =	sld [smem:$0x3FFE];
	[sflag:s23] =	ssyncadd.s32 $0xFFFFFFFF  }
0xa5: {  	s26 =	simm.s32 $execute0_lowered;
	[smem:$0x3FD2] =	sst s25  }
0xa6: {  	s4 =	sshll.u32 s26, $0x1;
	_ =	strace $0x8000004C;
	[dreg:$0x1] =	wrdreg $0xFFFFFFFF  }
0xa7: {  	s28 =	simm.s32 $_size_execute0_lowered;
	s2 =	sadd.s32 s2, s4;
	[dreg:$0x0] =	wrdreg $0x0  }
0xa8: {  	s4 =	sshll.u32 s28, $0x1;
	[dreg:$0x2] =	wrdreg s2  }
0xa9: {  	[dreg:$0x3] =	wrdreg s4  }
0xaa: {  	[dreg:$0x4] =	wrdreg $0xC0  }
0xab: {  	_ =	task [dreg:s6], $0x5FFFF  }
0xac: {  	[dreg:$0x1] =	wrdreg $0xFFFFFFFF  }
0xad: {  	[dreg:$0x0] =	wrdreg $0x60  }
0xae: {  	[dreg:$0x2] =	wrdreg s24  }
0xaf: {  	[dreg:$0x3] =	wrdreg $0x90000  }
0xb0: {  	[dreg:$0x4] =	wrdreg $0x9  }
0xb1: {  	_ =	task.clear_ibuf [dreg:s6], $0x5FFFF;
	_ =	strace $0x9000004C  }
0xb2: {  	s29 =	simm.s32 $0x9;
	_ =	strace $0x8000004E  }
0xb3: {  	_ =	swait.ge [sflag:s29], $0x1  }
0xb4: {  	[sflag:s29] =	ssyncadd.s32 $0xFFFFFFFF  }
0xb5: {  	_ =	strace $0x9000004E  }
0xb6: {  	_ =	sfence  }
0xb7: {  	s30 =	sld [smem:$0x0];
	_ =	sdelay $0x2  }
0xb8: {  	s31 =	sshll.u32 s1, $0xD;
	s1 =	sshrl.u32 s1, $0x2  }
0xb9: {  	s3 =	sand.u32 $0x4000, s31;
	s1 =	sadd.s32 s1, s30  }
0xba: {  	s0 =	sor.u32 s3, s0;
	s1 =	sshll.u32 s1, $0x11  }
0xbb: {  	s0 =	sor.u32 s1, s0  }
0xbc: {  	s0 =	sadd.s32 $0x8F2B, s0  }
0xbd: {  	[sflag:s0] =	ssyncadd.remote.s32 $0x1  }
0xbe: {  	_ =	sfence.sel $0xFFFF  }
0xbf: {  	[dreg:$0x0] =	wrdreg $0xFFFFFFFF;
	(pc) =	sbr.abs _section_cstart, $3  }
0xc0: {  	[dreg:$0x1] =	wrdreg $0xFFFFFFFF  }
0xc1: {  	_ =	task.clear_ibuf [dreg:s6], $0x2FFFF;
	_ =	strace $0x9FFFFFFF  }
0xc2: {  	(tm) =	ssettm $0x7FFFFFFF  }
0xc3: {  	_ =	shalt  }
tec
execute0_lowered:
.L_overlay_start_1:
0x0: {  	(tag) =	ssettag $0x1  }
0x1: {  	s0 =	srdreg.scid  }
0x2: {  	s1 =	rddreg [dreg:$0x0];
	s9 =	stileid.u32  }
0x3: {  	s2 =	rddreg [dreg:$0x1];
	s3 =	simm.s32 $0x0;
	s12 =	simm.s32 $0x880  }
0x4: {  	s14 =	simm.s32 $0x100;
	s15 =	simm.s32 $0x180;
	s16 =	simm.s32 $0x900  }
0x5: {  	s17 =	simm.s32 $0x980;
	s18 =	simm.s32 $0x200;
	[smem:$0x7FF] =	sst s3  }
0x6: {  	s19 =	simm.s32 $0x280;
	_ =	strace $0x8000004D;
	[dreg:$0x5] =	wrdreg s12  }
0x7: {  	s20 =	simm.s32 $0xA00;
	s21 =	simm.s32 $0xA80;
	[dreg:$0x6] =	wrdreg s14  }
0x8: {  	s22 =	simm.s32 $0x300;
	s23 =	simm.s32 $0x380;
	[dreg:$0x7] =	wrdreg s15  }
0x9: {  	s24 =	simm.s32 $0xB00;
	s25 =	simm.s32 $0xB80;
	[dreg:$0x8] =	wrdreg s16  }
0xa: {  	s26 =	simm.s32 $0x400;
	s28 =	simm.s32 $0x680;
	[dreg:$0x9] =	wrdreg s17  }
0xb: {  	s29 =	simm.s32 $0xE00;
	s30 =	simm.s32 $0xE80;
	[dreg:$0xa] =	wrdreg s18  }
0xc: {  	s31 =	simm.s32 $0x700;
	s5 =	smul.u32 $0x2800, s9;
	[dreg:$0xb] =	wrdreg s19  }
0xd: {  	s0 =	sand.u32 $0x1, s0;
	s7 =	smul.u32 $0x280, s9;
	[dreg:$0xc] =	wrdreg s20  }
0xe: {  	s10 =	smul.u32 $0x50000, s9;
	s13 =	sshll.u32 s9, $0x6;
	[dreg:$0xd] =	wrdreg s21  }
0xf: {  	s9 =	simm.s32 $0x0;
	s4 =	smul.u32 $0x28000, s0;
	[dreg:$0xe] =	wrdreg s22  }
0x10: {  	s6 =	smul.u32 $0x2800, s0;
	s0 =	ssub.s32 $0x2, s0;
	[dreg:$0xf] =	wrdreg s23  }
0x11: {  	s12 =	simm.s32 $0x80;
	s14 =	simm.s32 $0x5000;
	[dreg:$0x10] =	wrdreg s24  }
0x12: {  	s15 =	simm.s32 $0x1;
	s16 =	simm.s32 $0x2;
	[dreg:$0x11] =	wrdreg s25  }
0x13: {  	s17 =	simm.s32 $0x3;
	s18 =	simm.s32 $0x4;
	[dreg:$0x12] =	wrdreg s26  }
0x14: {  	s19 =	simm.s32 $0x480;
	s20 =	simm.s32 $0xC00;
	s21 =	simm.s32 $0xC80  }
0x15: {  	s22 =	simm.s32 $0x500;
	s23 =	simm.s32 $0x580;
	s8 =	sshrl.u32 s0, $0x1  }
0x16: {  	s5 =	sadd.s32 s5, s4;
	s4 =	sadd.s32 $0x16400, s1;
	s6 =	sadd.s32 s7, s6  }
0x17: {  	s0 =	ssub.s32 s0, s8;
	s7 =	sshrl.u32 s10, $0x2;
	s8 =	sor.u32 $0x1C05, s13  }
0x18: {  	s5 =	sshrl.u32 s5, $0x3;
	s6 =	sshll.u32 s6, $0x4;
	s7 =	sadd.s32 s7, s2  }
0x19: {  	s0 =	smax.u32 s0, $0x1;
	[dreg:$0x14] =	wrdreg s8;
	s5 =	sadd.s32 s5, s1  }
0x1a: {  	s1 =	sadd.s32 s6, s1;
	s6 =	sadd.s32 s4, s6;
	[dreg:$0x16] =	wrdreg s0  }
0x1b: {  	s24 =	simm.s32 $0xD00;
	s7 =	sshrl.u32 s7, $0x3;
	[dreg:$0x13] =	wrdreg s6  }
0x1c: {  	s25 =	simm.s32 $0xD80;
	s11 =	sadd.s32 $0x2400, s5;
	[dreg:$0x17] =	wrdreg s7  }
0x1d: {  	s26 =	simm.s32 $0x600;
	s5 =	sadd.s32 $0xC400, s5;
	[dreg:$0x3] =	wrdreg s11  }
0x1e: {  	s10 =	simm.s32 $0x5;
	s1 =	sadd.s32 $0x66400, s1;
	[dreg:$0x4] =	wrdreg s5  }
0x1f: {  	s13 =	simm.s32 $0x1000;
	s0 =	simm.s32 $0xF00;
	[dreg:$0x15] =	wrdreg s1  }
0x20: {  	s11 =	simm.s32 $0x800;
	s1 =	simm.s32 $0x780;
	s5 =	simm.s32 $0xF80  }
.LBB2_1:
0x21: {  	[dreg:$0x18] =	wrdreg s9  }
0x22: {  	s6 =	rddreg [dreg:$0x13]  }
0x23: {  	[spmem:s7], [sflag:s8] =	dma.local [hbm:s6], $0x2800  }
0x24: {  	_ =	swait.ge [sflag:s10], $0x2800  }
0x25: {  	[sflag:s10] =	ssyncset.done $0x0  }
0x26: {  	[sflag:s10] =	ssyncadd.s32 $0xFFFFD800  }
0x27: {  	[bflag:$0x0] =	sbarrier.arrive $0xFFFF  }
0x28: {  	s9 =	rddreg [dreg:$0x4]  }
0x29: {  	s6 =	sadd.s32 $0x0, s9  }
0x2a: {  	[tilespmem:s3], [sflag:$0x5] =	stream.linear.gather [hbm4b:s6+s3], $0x800, $0x38;
	[tilespmem:$0x1D000] =	vst v63  }
0x2b: {  	_ =	swait.ge [sflag:s10], $0x800  }
0x2c: {  	s7 =	rddreg [dreg:$0x3];
	[sflag:s10] =	ssyncset.done $0x0  }
0x2d: {  	[sflag:s10] =	ssyncadd.s32 $0xFFFFF800;
	s6 =	sadd.s32 $0x0, s7  }
0x2e: {  	[tilespmem:s11], [sflag:$0x5] =	stream.linear.gather [hbm4b:s6+s3], $0x800, $0x38;
	[tilespmem:$0x1D000] =	vst v63  }
0x2f: {  	_ =	swait.ge [sflag:s10], $0x800  }
0x30: {  	[sflag:s10] =	ssyncset.done $0x0  }
0x31: {  	[sflag:s10] =	ssyncadd.s32 $0xFFFFF800  }
0x32: {  	[tilespmem:s13], [sflag:$0x1] =	stream.indirect.gather [hbm4b:s4+s12], $0x80, s3, s12, $0xb8;
	[tilespmem:$0x1D000] =	vst v63  }
0x33: {  	_ = 	snop  }
0x34: {  	[tilespmem:s14], [sflag:$0x2] =	stream.indirect.gather [hbm4b:s4+s12], $0x80, s12, s12, $0xb8;
	[tilespmem:$0x1D000] =	vst v63  }
0x35: {  	_ =	swait.ge [sflag:s15], $0x4000  }
0x36: {  	[sflag:s15] =	ssyncset.done $0x0  }
0x37: {  	[sflag:s15] =	ssyncadd.s32 $0xFFFFC000  }
0x38: {  	[spmem:s2] =	stream.indirect.scatter.add.f32 [tilespmem:s13], [sflag:$0x3], $0x80, s11, s12, $0xb8;
	[tilespmem:$0x1D000] =	vst v63  }
0x39: {  	_ =	swait.ge [sflag:s16], $0x4000  }
0x3a: {  	[sflag:s16] =	ssyncset.done $0x0  }
0x3b: {  	s8 =	rddreg [dreg:$0x5];
	[sflag:s16] =	ssyncadd.s32 $0xFFFFC000  }
0x3c: {  	[spmem:s2] =	stream.indirect.scatter.add.f32 [tilespmem:s14], [sflag:$0x4], $0x80, s8, s12, $0xb8;
	[tilespmem:$0x1D000] =	vst v63  }
0x3d: {  	_ =	swait.ge [sflag:s17], $0x4000  }
0x3e: {  	[sflag:s17] =	ssyncset.done $0x0  }
0x3f: {  	s9 =	rddreg [dreg:$0x6];
	[sflag:s17] =	ssyncadd.s32 $0xFFFFC000  }
0x40: {  	[tilespmem:s13], [sflag:$0x1] =	stream.indirect.gather [hbm4b:s4+s12], $0x80, s9, s12, $0xb8;
	[tilespmem:$0x1D000] =	vst v63  }
0x41: {  	_ =	swait.ge [sflag:s18], $0x4000  }
0x42: {  	[sflag:s18] =	ssyncset.done $0x0  }
0x43: {  	s7 =	rddreg [dreg:$0x7];
	[sflag:s18] =	ssyncadd.s32 $0xFFFFC000  }
0x44: {  	[tilespmem:s14], [sflag:$0x2] =	stream.indirect.gather [hbm4b:s4+s12], $0x80, s7, s12, $0xb8;
	[tilespmem:$0x1D000] =	vst v63  }
0x45: {  	_ =	swait.ge [sflag:s15], $0x4000  }
0x46: {  	[sflag:s15] =	ssyncset.done $0x0  }
0x47: {  	s8 =	rddreg [dreg:$0x8];
	[sflag:s15] =	ssyncadd.s32 $0xFFFFC000  }
0x48: {  	[spmem:s2] =	stream.indirect.scatter.add.f32 [tilespmem:s13], [sflag:$0x3], $0x80, s8, s12, $0xb8;
	[tilespmem:$0x1D000] =	vst v63  }
0x49: {  	_ =	swait.ge [sflag:s16], $0x4000  }
0x4a: {  	[sflag:s16] =	ssyncset.done $0x0  }
0x4b: {  	s9 =	rddreg [dreg:$0x9];
	[sflag:s16] =	ssyncadd.s32 $0xFFFFC000  }
0x4c: {  	[spmem:s2] =	stream.indirect.scatter.add.f32 [tilespmem:s14], [sflag:$0x4], $0x80, s9, s12, $0xb8;
	[tilespmem:$0x1D000] =	vst v63  }
0x4d: {  	_ =	swait.ge [sflag:s17], $0x4000  }
0x4e: {  	[sflag:s17] =	ssyncset.done $0x0  }
0x4f: {  	s7 =	rddreg [dreg:$0xa];
	[sflag:s17] =	ssyncadd.s32 $0xFFFFC000  }
0x50: {  	[tilespmem:s13], [sflag:$0x1] =	stream.indirect.gather [hbm4b:s4+s12], $0x80, s7, s12, $0xb8;
	[tilespmem:$0x1D000] =	vst v63  }
0x51: {  	_ =	swait.ge [sflag:s18], $0x4000  }
0x52: {  	[sflag:s18] =	ssyncset.done $0x0  }
0x53: {  	s8 =	rddreg [dreg:$0xb];
	[sflag:s18] =	ssyncadd.s32 $0xFFFFC000  }
0x54: {  	[tilespmem:s14], [sflag:$0x2] =	stream.indirect.gather [hbm4b:s4+s12], $0x80, s8, s12, $0xb8;
	[tilespmem:$0x1D000] =	vst v63  }
0x55: {  	_ =	swait.ge [sflag:s15], $0x4000  }
0x56: {  	[sflag:s15] =	ssyncset.done $0x0  }
0x57: {  	s9 =	rddreg [dreg:$0xc];
	[sflag:s15] =	ssyncadd.s32 $0xFFFFC000  }
0x58: {  	[spmem:s2] =	stream.indirect.scatter.add.f32 [tilespmem:s13], [sflag:$0x3], $0x80, s9, s12, $0xb8;
	[tilespmem:$0x1D000] =	vst v63  }
0x59: {  	_ =	swait.ge [sflag:s16], $0x4000  }
0x5a: {  	[sflag:s16] =	ssyncset.done $0x0  }
0x5b: {  	s7 =	rddreg [dreg:$0xd];
	[sflag:s16] =	ssyncadd.s32 $0xFFFFC000  }
0x5c: {  	[spmem:s2] =	stream.indirect.scatter.add.f32 [tilespmem:s14], [sflag:$0x4], $0x80, s7, s12, $0xb8;
	[tilespmem:$0x1D000] =	vst v63  }
0x5d: {  	_ =	swait.ge [sflag:s17], $0x4000  }
0x5e: {  	[sflag:s17] =	ssyncset.done $0x0  }
0x5f: {  	s8 =	rddreg [dreg:$0xe];
	[sflag:s17] =	ssyncadd.s32 $0xFFFFC000  }
0x60: {  	[tilespmem:s13], [sflag:$0x1] =	stream.indirect.gather [hbm4b:s4+s12], $0x80, s8, s12, $0xb8;
	[tilespmem:$0x1D000] =	vst v63  }
0x61: {  	_ =	swait.ge [sflag:s18], $0x4000  }
0x62: {  	[sflag:s18] =	ssyncset.done $0x0  }
0x63: {  	s9 =	rddreg [dreg:$0xf];
	[sflag:s18] =	ssyncadd.s32 $0xFFFFC000  }
0x64: {  	[tilespmem:s14], [sflag:$0x2] =	stream.indirect.gather [hbm4b:s4+s12], $0x80, s9, s12, $0xb8;
	[tilespmem:$0x1D000] =	vst v63  }
0x65: {  	_ =	swait.ge [sflag:s15], $0x4000  }
0x66: {  	[sflag:s15] =	ssyncset.done $0x0  }
0x67: {  	s7 =	rddreg [dreg:$0x10];
	[sflag:s15] =	ssyncadd.s32 $0xFFFFC000  }
0x68: {  	[spmem:s2] =	stream.indirect.scatter.add.f32 [tilespmem:s13], [sflag:$0x3], $0x80, s7, s12, $0xb8;
	[tilespmem:$0x1D000] =	vst v63  }
0x69: {  	_ =	swait.ge [sflag:s16], $0x4000  }
0x6a: {  	[sflag:s16] =	ssyncset.done $0x0  }
0x6b: {  	s8 =	rddreg [dreg:$0x11];
	[sflag:s16] =	ssyncadd.s32 $0xFFFFC000  }
0x6c: {  	[spmem:s2] =	stream.indirect.scatter.add.f32 [tilespmem:s14], [sflag:$0x4], $0x80, s8, s12, $0xb8;
	[tilespmem:$0x1D000] =	vst v63  }
0x6d: {  	_ =	swait.ge [sflag:s17], $0x4000  }
0x6e: {  	[sflag:s17] =	ssyncset.done $0x0  }
0x6f: {  	s9 =	rddreg [dreg:$0x12];
	[sflag:s17] =	ssyncadd.s32 $0xFFFFC000  }
0x70: {  	[tilespmem:s13], [sflag:$0x1] =	stream.indirect.gather [hbm4b:s4+s12], $0x80, s9, s12, $0xb8;
	[tilespmem:$0x1D000] =	vst v63  }
0x71: {  	_ =	swait.ge [sflag:s18], $0x4000  }
0x72: {  	[sflag:s18] =	ssyncset.done $0x0  }
0x73: {  	[sflag:s18] =	ssyncadd.s32 $0xFFFFC000  }
0x74: {  	[tilespmem:s14], [sflag:$0x2] =	stream.indirect.gather [hbm4b:s4+s12], $0x80, s19, s12, $0xb8;
	[tilespmem:$0x1D000] =	vst v63  }
0x75: {  	_ =	swait.ge [sflag:s15], $0x4000  }
0x76: {  	[sflag:s15] =	ssyncset.done $0x0  }
0x77: {  	[sflag:s15] =	ssyncadd.s32 $0xFFFFC000  }
0x78: {  	[spmem:s2] =	stream.indirect.scatter.add.f32 [tilespmem:s13], [sflag:$0x3], $0x80, s20, s12, $0xb8;
	[tilespmem:$0x1D000] =	vst v63  }
0x79: {  	_ =	swait.ge [sflag:s16], $0x4000  }
0x7a: {  	[sflag:s16] =	ssyncset.done $0x0  }
0x7b: {  	[sflag:s16] =	ssyncadd.s32 $0xFFFFC000  }
0x7c: {  	[spmem:s2] =	stream.indirect.scatter.add.f32 [tilespmem:s14], [sflag:$0x4], $0x80, s21, s12, $0xb8;
	[tilespmem:$0x1D000] =	vst v63  }
0x7d: {  	_ =	swait.ge [sflag:s17], $0x4000  }
0x7e: {  	[sflag:s17] =	ssyncset.done $0x0  }
0x7f: {  	[sflag:s17] =	ssyncadd.s32 $0xFFFFC000  }
0x80: {  	[tilespmem:s13], [sflag:$0x1] =	stream.indirect.gather [hbm4b:s4+s12], $0x80, s22, s12, $0xb8;
	[tilespmem:$0x1D000] =	vst v63  }
0x81: {  	_ =	swait.ge [sflag:s18], $0x4000  }
0x82: {  	[sflag:s18] =	ssyncset.done $0x0  }
0x83: {  	[sflag:s18] =	ssyncadd.s32 $0xFFFFC000  }
0x84: {  	[tilespmem:s14], [sflag:$0x2] =	stream.indirect.gather [hbm4b:s4+s12], $0x80, s23, s12, $0xb8;
	[tilespmem:$0x1D000] =	vst v63  }
0x85: {  	_ =	swait.ge [sflag:s15], $0x4000  }
0x86: {  	[sflag:s15] =	ssyncset.done $0x0  }
0x87: {  	[sflag:s15] =	ssyncadd.s32 $0xFFFFC000  }
0x88: {  	[spmem:s2] =	stream.indirect.scatter.add.f32 [tilespmem:s13], [sflag:$0x3], $0x80, s24, s12, $0xb8;
	[tilespmem:$0x1D000] =	vst v63  }
0x89: {  	_ =	swait.ge [sflag:s16], $0x4000  }
0x8a: {  	[sflag:s16] =	ssyncset.done $0x0  }
0x8b: {  	[sflag:s16] =	ssyncadd.s32 $0xFFFFC000  }
0x8c: {  	[spmem:s2] =	stream.indirect.scatter.add.f32 [tilespmem:s14], [sflag:$0x4], $0x80, s25, s12, $0xb8;
	[tilespmem:$0x1D000] =	vst v63  }
0x8d: {  	_ =	swait.ge [sflag:s17], $0x4000  }
0x8e: {  	[sflag:s17] =	ssyncset.done $0x0  }
0x8f: {  	[sflag:s17] =	ssyncadd.s32 $0xFFFFC000  }
0x90: {  	[tilespmem:s13], [sflag:$0x1] =	stream.indirect.gather [hbm4b:s4+s12], $0x80, s26, s12, $0xb8;
	[tilespmem:$0x1D000] =	vst v63  }
0x91: {  	_ =	swait.ge [sflag:s18], $0x4000  }
0x92: {  	[sflag:s18] =	ssyncset.done $0x0  }
0x93: {  	[sflag:s18] =	ssyncadd.s32 $0xFFFFC000  }
0x94: {  	[tilespmem:s14], [sflag:$0x2] =	stream.indirect.gather [hbm4b:s4+s12], $0x80, s28, s12, $0xb8;
	[tilespmem:$0x1D000] =	vst v63  }
0x95: {  	_ =	swait.ge [sflag:s15], $0x4000  }
0x96: {  	[sflag:s15] =	ssyncset.done $0x0  }
0x97: {  	[sflag:s15] =	ssyncadd.s32 $0xFFFFC000  }
0x98: {  	[spmem:s2] =	stream.indirect.scatter.add.f32 [tilespmem:s13], [sflag:$0x3], $0x80, s29, s12, $0xb8;
	[tilespmem:$0x1D000] =	vst v63  }
0x99: {  	_ =	swait.ge [sflag:s16], $0x4000  }
0x9a: {  	[sflag:s16] =	ssyncset.done $0x0  }
0x9b: {  	[sflag:s16] =	ssyncadd.s32 $0xFFFFC000  }
0x9c: {  	[spmem:s2] =	stream.indirect.scatter.add.f32 [tilespmem:s14], [sflag:$0x4], $0x80, s30, s12, $0xb8;
	[tilespmem:$0x1D000] =	vst v63  }
0x9d: {  	_ =	swait.ge [sflag:s17], $0x4000  }
0x9e: {  	[sflag:s17] =	ssyncset.done $0x0  }
0x9f: {  	[sflag:s17] =	ssyncadd.s32 $0xFFFFC000  }
0xa0: {  	[tilespmem:s13], [sflag:$0x1] =	stream.indirect.gather [hbm4b:s4+s12], $0x80, s31, s12, $0xb8;
	[tilespmem:$0x1D000] =	vst v63  }
0xa1: {  	_ =	swait.ge [sflag:s18], $0x4000  }
0xa2: {  	[sflag:s18] =	ssyncset.done $0x0  }
0xa3: {  	[sflag:s18] =	ssyncadd.s32 $0xFFFFC000  }
0xa4: {  	[tilespmem:s14], [sflag:$0x2] =	stream.indirect.gather [hbm4b:s4+s12], $0x80, s1, s12, $0xb8;
	[tilespmem:$0x1D000] =	vst v63  }
0xa5: {  	_ =	swait.ge [sflag:s15], $0x4000  }
0xa6: {  	[sflag:s15] =	ssyncset.done $0x0  }
0xa7: {  	[sflag:s15] =	ssyncadd.s32 $0xFFFFC000  }
0xa8: {  	[spmem:s2] =	stream.indirect.scatter.add.f32 [tilespmem:s13], [sflag:$0x3], $0x80, s0, s12, $0xb8;
	[tilespmem:$0x1D000] =	vst v63  }
0xa9: {  	_ =	swait.ge [sflag:s16], $0x4000  }
0xaa: {  	[sflag:s16] =	ssyncset.done $0x0  }
0xab: {  	[sflag:s16] =	ssyncadd.s32 $0xFFFFC000  }
0xac: {  	[spmem:s2] =	stream.indirect.scatter.add.f32 [tilespmem:s14], [sflag:$0x4], $0x80, s5, s12, $0xb8;
	[tilespmem:$0x1D000] =	vst v63  }
0xad: {  	_ =	swait.ge [sflag:s17], $0x4000  }
0xae: {  	[sflag:s17] =	ssyncset.done $0x0  }
0xaf: {  	[sflag:s17] =	ssyncadd.s32 $0xFFFFC000  }
0xb0: {  	s6 =	simm.s32 $0x200;
	_ =	swait.ge [sflag:s18], $0x4000  }
0xb1: {  	s8 =	simm.s32 $0x100;
	s9 =	rddreg [dreg:$0x4];
	[sflag:s18] =	ssyncset.done $0x0  }
.LBB2_2:
0xb2: {  	[sflag:s18] =	ssyncadd.s32 $0xFFFFC000;
	s9 =	sadd.s32 s8, s9  }
0xb3: {  	[tilespmem:s3], [sflag:$0x5] =	stream.linear.gather [hbm4b:s9+s3], $0x800, $0x38;
	[tilespmem:$0x1D000] =	vst v63  }
0xb4: {  	_ =	swait.ge [sflag:s10], $0x800  }
0xb5: {  	s9 =	rddreg [dreg:$0x3];
	[sflag:s10] =	ssyncset.done $0x0  }
0xb6: {  	[sflag:s10] =	ssyncadd.s32 $0xFFFFF800;
	s9 =	sadd.s32 s8, s9  }
0xb7: {  	[tilespmem:s11], [sflag:$0x5] =	stream.linear.gather [hbm4b:s9+s3], $0x800, $0x38;
	[tilespmem:$0x1D000] =	vst v63  }
0xb8: {  	_ =	swait.ge [sflag:s10], $0x800  }
0xb9: {  	[sflag:s10] =	ssyncset.done $0x0  }
0xba: {  	[sflag:s10] =	ssyncadd.s32 $0xFFFFF800  }
0xbb: {  	[tilespmem:s13], [sflag:$0x1] =	stream.indirect.gather [hbm4b:s4+s12], $0x80, s3, s12, $0xb8;
	[tilespmem:$0x1D000] =	vst v63  }
0xbc: {  	_ = 	snop  }
0xbd: {  	[tilespmem:s14], [sflag:$0x2] =	stream.indirect.gather [hbm4b:s4+s12], $0x80, s12, s12, $0xb8;
	[tilespmem:$0x1D000] =	vst v63  }
0xbe: {  	_ =	swait.ge [sflag:s15], $0x4000  }
0xbf: {  	[sflag:s15] =	ssyncset.done $0x0  }
0xc0: {  	[sflag:s15] =	ssyncadd.s32 $0xFFFFC000  }
0xc1: {  	[spmem:s2] =	stream.indirect.scatter.add.f32 [tilespmem:s13], [sflag:$0x3], $0x80, s11, s12, $0xb8;
	[tilespmem:$0x1D000] =	vst v63  }
0xc2: {  	_ =	swait.ge [sflag:s16], $0x4000  }
0xc3: {  	[sflag:s16] =	ssyncset.done $0x0  }
0xc4: {  	s9 =	rddreg [dreg:$0x5];
	[sflag:s16] =	ssyncadd.s32 $0xFFFFC000  }
0xc5: {  	[spmem:s2] =	stream.indirect.scatter.add.f32 [tilespmem:s14], [sflag:$0x4], $0x80, s9, s12, $0xb8;
	[tilespmem:$0x1D000] =	vst v63  }
0xc6: {  	_ =	swait.ge [sflag:s17], $0x4000  }
0xc7: {  	[sflag:s17] =	ssyncset.done $0x0  }
0xc8: {  	s9 =	rddreg [dreg:$0x6];
	[sflag:s17] =	ssyncadd.s32 $0xFFFFC000  }
0xc9: {  	[tilespmem:s13], [sflag:$0x1] =	stream.indirect.gather [hbm4b:s4+s12], $0x80, s9, s12, $0xb8;
	[tilespmem:$0x1D000] =	vst v63  }
0xca: {  	_ =	swait.ge [sflag:s18], $0x4000  }
0xcb: {  	[sflag:s18] =	ssyncset.done $0x0  }
0xcc: {  	s9 =	rddreg [dreg:$0x7];
	[sflag:s18] =	ssyncadd.s32 $0xFFFFC000  }
0xcd: {  	[tilespmem:s14], [sflag:$0x2] =	stream.indirect.gather [hbm4b:s4+s12], $0x80, s9, s12, $0xb8;
	[tilespmem:$0x1D000] =	vst v63  }
0xce: {  	_ =	swait.ge [sflag:s15], $0x4000  }
0xcf: {  	[sflag:s15] =	ssyncset.done $0x0  }
0xd0: {  	s9 =	rddreg [dreg:$0x8];
	[sflag:s15] =	ssyncadd.s32 $0xFFFFC000  }
0xd1: {  	[spmem:s2] =	stream.indirect.scatter.add.f32 [tilespmem:s13], [sflag:$0x3], $0x80, s9, s12, $0xb8;
	[tilespmem:$0x1D000] =	vst v63  }
0xd2: {  	_ =	swait.ge [sflag:s16], $0x4000  }
0xd3: {  	[sflag:s16] =	ssyncset.done $0x0  }
0xd4: {  	s9 =	rddreg [dreg:$0x9];
	[sflag:s16] =	ssyncadd.s32 $0xFFFFC000  }
0xd5: {  	[spmem:s2] =	stream.indirect.scatter.add.f32 [tilespmem:s14], [sflag:$0x4], $0x80, s9, s12, $0xb8;
	[tilespmem:$0x1D000] =	vst v63  }
0xd6: {  	_ =	swait.ge [sflag:s17], $0x4000  }
0xd7: {  	[sflag:s17] =	ssyncset.done $0x0  }
0xd8: {  	s9 =	rddreg [dreg:$0xa];
	[sflag:s17] =	ssyncadd.s32 $0xFFFFC000  }
0xd9: {  	[tilespmem:s13], [sflag:$0x1] =	stream.indirect.gather [hbm4b:s4+s12], $0x80, s9, s12, $0xb8;
	[tilespmem:$0x1D000] =	vst v63  }
0xda: {  	_ =	swait.ge [sflag:s18], $0x4000  }
0xdb: {  	[sflag:s18] =	ssyncset.done $0x0  }
0xdc: {  	s9 =	rddreg [dreg:$0xb];
	[sflag:s18] =	ssyncadd.s32 $0xFFFFC000  }
0xdd: {  	[tilespmem:s14], [sflag:$0x2] =	stream.indirect.gather [hbm4b:s4+s12], $0x80, s9, s12, $0xb8;
	[tilespmem:$0x1D000] =	vst v63  }
0xde: {  	_ =	swait.ge [sflag:s15], $0x4000  }
0xdf: {  	[sflag:s15] =	ssyncset.done $0x0  }
0xe0: {  	s9 =	rddreg [dreg:$0xc];
	[sflag:s15] =	ssyncadd.s32 $0xFFFFC000  }
0xe1: {  	[spmem:s2] =	stream.indirect.scatter.add.f32 [tilespmem:s13], [sflag:$0x3], $0x80, s9, s12, $0xb8;
	[tilespmem:$0x1D000] =	vst v63  }
0xe2: {  	_ =	swait.ge [sflag:s16], $0x4000  }
0xe3: {  	[sflag:s16] =	ssyncset.done $0x0  }
0xe4: {  	s9 =	rddreg [dreg:$0xd];
	[sflag:s16] =	ssyncadd.s32 $0xFFFFC000  }
0xe5: {  	[spmem:s2] =	stream.indirect.scatter.add.f32 [tilespmem:s14], [sflag:$0x4], $0x80, s9, s12, $0xb8;
	[tilespmem:$0x1D000] =	vst v63  }
0xe6: {  	_ =	swait.ge [sflag:s17], $0x4000  }
0xe7: {  	[sflag:s17] =	ssyncset.done $0x0  }
0xe8: {  	s9 =	rddreg [dreg:$0xe];
	[sflag:s17] =	ssyncadd.s32 $0xFFFFC000  }
0xe9: {  	[tilespmem:s13], [sflag:$0x1] =	stream.indirect.gather [hbm4b:s4+s12], $0x80, s9, s12, $0xb8;
	[tilespmem:$0x1D000] =	vst v63  }
0xea: {  	_ =	swait.ge [sflag:s18], $0x4000  }
0xeb: {  	[sflag:s18] =	ssyncset.done $0x0  }
0xec: {  	s9 =	rddreg [dreg:$0xf];
	[sflag:s18] =	ssyncadd.s32 $0xFFFFC000  }
0xed: {  	[tilespmem:s14], [sflag:$0x2] =	stream.indirect.gather [hbm4b:s4+s12], $0x80, s9, s12, $0xb8;
	[tilespmem:$0x1D000] =	vst v63  }
0xee: {  	_ =	swait.ge [sflag:s15], $0x4000  }
0xef: {  	[sflag:s15] =	ssyncset.done $0x0  }
0xf0: {  	s9 =	rddreg [dreg:$0x10];
	[sflag:s15] =	ssyncadd.s32 $0xFFFFC000  }
0xf1: {  	[spmem:s2] =	stream.indirect.scatter.add.f32 [tilespmem:s13], [sflag:$0x3], $0x80, s9, s12, $0xb8;
	[tilespmem:$0x1D000] =	vst v63  }
0xf2: {  	_ =	swait.ge [sflag:s16], $0x4000  }
0xf3: {  	[sflag:s16] =	ssyncset.done $0x0  }
0xf4: {  	s9 =	rddreg [dreg:$0x11];
	[sflag:s16] =	ssyncadd.s32 $0xFFFFC000  }
0xf5: {  	[spmem:s2] =	stream.indirect.scatter.add.f32 [tilespmem:s14], [sflag:$0x4], $0x80, s9, s12, $0xb8;
	[tilespmem:$0x1D000] =	vst v63  }
0xf6: {  	_ =	swait.ge [sflag:s17], $0x4000  }
0xf7: {  	[sflag:s17] =	ssyncset.done $0x0  }
0xf8: {  	s9 =	rddreg [dreg:$0x12];
	[sflag:s17] =	ssyncadd.s32 $0xFFFFC000  }
0xf9: {  	[tilespmem:s13], [sflag:$0x1] =	stream.indirect.gather [hbm4b:s4+s12], $0x80, s9, s12, $0xb8;
	[tilespmem:$0x1D000] =	vst v63  }
0xfa: {  	_ =	swait.ge [sflag:s18], $0x4000  }
0xfb: {  	[sflag:s18] =	ssyncset.done $0x0  }
0xfc: {  	[sflag:s18] =	ssyncadd.s32 $0xFFFFC000  }
0xfd: {  	[tilespmem:s14], [sflag:$0x2] =	stream.indirect.gather [hbm4b:s4+s12], $0x80, s19, s12, $0xb8;
	[tilespmem:$0x1D000] =	vst v63  }
0xfe: {  	_ =	swait.ge [sflag:s15], $0x4000  }
0xff: {  	[sflag:s15] =	ssyncset.done $0x0  }
0x100: {  	[sflag:s15] =	ssyncadd.s32 $0xFFFFC000  }
0x101: {  	[spmem:s2] =	stream.indirect.scatter.add.f32 [tilespmem:s13], [sflag:$0x3], $0x80, s20, s12, $0xb8;
	[tilespmem:$0x1D000] =	vst v63  }
0x102: {  	_ =	swait.ge [sflag:s16], $0x4000  }
0x103: {  	[sflag:s16] =	ssyncset.done $0x0  }
0x104: {  	[sflag:s16] =	ssyncadd.s32 $0xFFFFC000  }
0x105: {  	[spmem:s2] =	stream.indirect.scatter.add.f32 [tilespmem:s14], [sflag:$0x4], $0x80, s21, s12, $0xb8;
	[tilespmem:$0x1D000] =	vst v63  }
0x106: {  	_ =	swait.ge [sflag:s17], $0x4000  }
0x107: {  	[sflag:s17] =	ssyncset.done $0x0  }
0x108: {  	[sflag:s17] =	ssyncadd.s32 $0xFFFFC000  }
0x109: {  	[tilespmem:s13], [sflag:$0x1] =	stream.indirect.gather [hbm4b:s4+s12], $0x80, s22, s12, $0xb8;
	[tilespmem:$0x1D000] =	vst v63  }
0x10a: {  	_ =	swait.ge [sflag:s18], $0x4000  }
0x10b: {  	[sflag:s18] =	ssyncset.done $0x0  }
0x10c: {  	[sflag:s18] =	ssyncadd.s32 $0xFFFFC000  }
0x10d: {  	[tilespmem:s14], [sflag:$0x2] =	stream.indirect.gather [hbm4b:s4+s12], $0x80, s23, s12, $0xb8;
	[tilespmem:$0x1D000] =	vst v63  }
0x10e: {  	_ =	swait.ge [sflag:s15], $0x4000  }
0x10f: {  	[sflag:s15] =	ssyncset.done $0x0  }
0x110: {  	[sflag:s15] =	ssyncadd.s32 $0xFFFFC000  }
0x111: {  	[spmem:s2] =	stream.indirect.scatter.add.f32 [tilespmem:s13], [sflag:$0x3], $0x80, s24, s12, $0xb8;
	[tilespmem:$0x1D000] =	vst v63  }
0x112: {  	_ =	swait.ge [sflag:s16], $0x4000  }
0x113: {  	[sflag:s16] =	ssyncset.done $0x0  }
0x114: {  	[sflag:s16] =	ssyncadd.s32 $0xFFFFC000  }
0x115: {  	[spmem:s2] =	stream.indirect.scatter.add.f32 [tilespmem:s14], [sflag:$0x4], $0x80, s25, s12, $0xb8;
	[tilespmem:$0x1D000] =	vst v63  }
0x116: {  	_ =	swait.ge [sflag:s17], $0x4000  }
0x117: {  	[sflag:s17] =	ssyncset.done $0x0  }
0x118: {  	[sflag:s17] =	ssyncadd.s32 $0xFFFFC000  }
0x119: {  	[tilespmem:s13], [sflag:$0x1] =	stream.indirect.gather [hbm4b:s4+s12], $0x80, s26, s12, $0xb8;
	[tilespmem:$0x1D000] =	vst v63  }
0x11a: {  	_ =	swait.ge [sflag:s18], $0x4000  }
0x11b: {  	[sflag:s18] =	ssyncset.done $0x0  }
0x11c: {  	[sflag:s18] =	ssyncadd.s32 $0xFFFFC000  }
0x11d: {  	[tilespmem:s14], [sflag:$0x2] =	stream.indirect.gather [hbm4b:s4+s12], $0x80, s28, s12, $0xb8;
	[tilespmem:$0x1D000] =	vst v63  }
0x11e: {  	_ =	swait.ge [sflag:s15], $0x4000  }
0x11f: {  	[sflag:s15] =	ssyncset.done $0x0  }
0x120: {  	[sflag:s15] =	ssyncadd.s32 $0xFFFFC000  }
0x121: {  	[spmem:s2] =	stream.indirect.scatter.add.f32 [tilespmem:s13], [sflag:$0x3], $0x80, s29, s12, $0xb8;
	[tilespmem:$0x1D000] =	vst v63  }
0x122: {  	_ =	swait.ge [sflag:s16], $0x4000  }
0x123: {  	[sflag:s16] =	ssyncset.done $0x0  }
0x124: {  	[sflag:s16] =	ssyncadd.s32 $0xFFFFC000  }
0x125: {  	[spmem:s2] =	stream.indirect.scatter.add.f32 [tilespmem:s14], [sflag:$0x4], $0x80, s30, s12, $0xb8;
	[tilespmem:$0x1D000] =	vst v63  }
0x126: {  	_ =	swait.ge [sflag:s17], $0x4000  }
0x127: {  	[sflag:s17] =	ssyncset.done $0x0  }
0x128: {  	[sflag:s17] =	ssyncadd.s32 $0xFFFFC000  }
0x129: {  	[tilespmem:s13], [sflag:$0x1] =	stream.indirect.gather [hbm4b:s4+s12], $0x80, s31, s12, $0xb8;
	[tilespmem:$0x1D000] =	vst v63  }
0x12a: {  	_ =	swait.ge [sflag:s18], $0x4000  }
0x12b: {  	[sflag:s18] =	ssyncset.done $0x0  }
0x12c: {  	[sflag:s18] =	ssyncadd.s32 $0xFFFFC000  }
0x12d: {  	[tilespmem:s14], [sflag:$0x2] =	stream.indirect.gather [hbm4b:s4+s12], $0x80, s1, s12, $0xb8;
	[tilespmem:$0x1D000] =	vst v63  }
0x12e: {  	_ =	swait.ge [sflag:s15], $0x4000  }
0x12f: {  	[sflag:s15] =	ssyncset.done $0x0  }
0x130: {  	[sflag:s15] =	ssyncadd.s32 $0xFFFFC000  }
0x131: {  	[spmem:s2] =	stream.indirect.scatter.add.f32 [tilespmem:s13], [sflag:$0x3], $0x80, s0, s12, $0xb8;
	[tilespmem:$0x1D000] =	vst v63  }
0x132: {  	_ =	swait.ge [sflag:s16], $0x4000  }
0x133: {  	[sflag:s16] =	ssyncset.done $0x0  }
0x134: {  	p0 =	sne.s32 s6, $0x400;
	[sflag:s16] =	ssyncadd.s32 $0xFFFFC000  }
0x135: {  	[spmem:s2] =	stream.indirect.scatter.add.f32 [tilespmem:s14], [sflag:$0x4], $0x80, s5, s12, $0xb8;
	[tilespmem:$0x1D000] =	vst v63  }
.Ltmp0:
0x136: {  	_ =	swait.ge [sflag:s17], $0x4000;
	(pc) =	sbr.rel @p0 .LBB2_2-.Ltmp0, $4  }
0x137: {  	[sflag:s17] =	ssyncset.done $0x0  }
0x138: {  	[sflag:s17] =	ssyncadd.s32 $0xFFFFC000  }
0x139: {  	s7 =	smov.u32 s6;
	s6 =	sadd.s32 $0x100, s6;
	_ =	swait.ge [sflag:s18], $0x4000  }
0x13a: {  	s8 =	smov.u32 s7;
	s9 =	rddreg [dreg:$0x4];
	[sflag:s18] =	ssyncset.done $0x0  }
0x13b: {  	[sflag:s18] =	ssyncadd.s32 $0xFFFFC000;
	s6 =	sadd.s32 s8, s9  }
0x13c: {  	[tilespmem:s3], [sflag:$0x5] =	stream.linear.gather [hbm4b:s6+s3], $0x800, $0x38;
	[tilespmem:$0x1D000] =	vst v63  }
0x13d: {  	_ =	swait.ge [sflag:s10], $0x800  }
0x13e: {  	s9 =	rddreg [dreg:$0x3];
	[sflag:s10] =	ssyncset.done $0x0  }
0x13f: {  	s6 =	sadd.s32 s8, s9;
	[sflag:s10] =	ssyncadd.s32 $0xFFFFF800  }
0x140: {  	[tilespmem:s11], [sflag:$0x5] =	stream.linear.gather [hbm4b:s6+s3], $0x800, $0x38;
	[tilespmem:$0x1D000] =	vst v63  }
0x141: {  	_ =	swait.ge [sflag:s10], $0x800  }
0x142: {  	[sflag:s10] =	ssyncset.done $0x0  }
0x143: {  	[sflag:s10] =	ssyncadd.s32 $0xFFFFF800  }
0x144: {  	[tilespmem:s13], [sflag:$0x1] =	stream.indirect.gather [hbm4b:s4+s12], $0x80, s3, s12, $0xb8;
	[tilespmem:$0x1D000] =	vst v63  }
0x145: {  	_ = 	snop  }
0x146: {  	[tilespmem:s14], [sflag:$0x2] =	stream.indirect.gather [hbm4b:s4+s12], $0x80, s12, s12, $0xb8;
	[tilespmem:$0x1D000] =	vst v63  }
0x147: {  	_ =	swait.ge [sflag:s15], $0x4000  }
0x148: {  	[sflag:s15] =	ssyncset.done $0x0  }
0x149: {  	[sflag:s15] =	ssyncadd.s32 $0xFFFFC000  }
0x14a: {  	[spmem:s2] =	stream.indirect.scatter.add.f32 [tilespmem:s13], [sflag:$0x3], $0x80, s11, s12, $0xb8;
	[tilespmem:$0x1D000] =	vst v63  }
0x14b: {  	_ =	swait.ge [sflag:s16], $0x4000  }
0x14c: {  	[sflag:s16] =	ssyncset.done $0x0  }
0x14d: {  	s7 =	rddreg [dreg:$0x5];
	[sflag:s16] =	ssyncadd.s32 $0xFFFFC000  }
0x14e: {  	[spmem:s2] =	stream.indirect.scatter.add.f32 [tilespmem:s14], [sflag:$0x4], $0x80, s7, s12, $0xb8;
	[tilespmem:$0x1D000] =	vst v63  }
0x14f: {  	_ =	swait.ge [sflag:s17], $0x4000  }
0x150: {  	[sflag:s17] =	ssyncset.done $0x0  }
0x151: {  	s8 =	rddreg [dreg:$0x6];
	[sflag:s17] =	ssyncadd.s32 $0xFFFFC000  }
0x152: {  	[tilespmem:s13], [sflag:$0x1] =	stream.indirect.gather [hbm4b:s4+s12], $0x80, s8, s12, $0xb8;
	[tilespmem:$0x1D000] =	vst v63  }
0x153: {  	_ =	swait.ge [sflag:s18], $0x4000  }
0x154: {  	[sflag:s18] =	ssyncset.done $0x0  }
0x155: {  	s9 =	rddreg [dreg:$0x7];
	[sflag:s18] =	ssyncadd.s32 $0xFFFFC000  }
0x156: {  	[tilespmem:s14], [sflag:$0x2] =	stream.indirect.gather [hbm4b:s4+s12], $0x80, s9, s12, $0xb8;
	[tilespmem:$0x1D000] =	vst v63  }
0x157: {  	_ =	swait.ge [sflag:s15], $0x4000  }
0x158: {  	[sflag:s15] =	ssyncset.done $0x0  }
0x159: {  	s7 =	rddreg [dreg:$0x8];
	[sflag:s15] =	ssyncadd.s32 $0xFFFFC000  }
0x15a: {  	[spmem:s2] =	stream.indirect.scatter.add.f32 [tilespmem:s13], [sflag:$0x3], $0x80, s7, s12, $0xb8;
	[tilespmem:$0x1D000] =	vst v63  }
0x15b: {  	_ =	swait.ge [sflag:s16], $0x4000  }
0x15c: {  	[sflag:s16] =	ssyncset.done $0x0  }
0x15d: {  	s8 =	rddreg [dreg:$0x9];
	[sflag:s16] =	ssyncadd.s32 $0xFFFFC000  }
0x15e: {  	[spmem:s2] =	stream.indirect.scatter.add.f32 [tilespmem:s14], [sflag:$0x4], $0x80, s8, s12, $0xb8;
	[tilespmem:$0x1D000] =	vst v63  }
0x15f: {  	_ =	swait.ge [sflag:s17], $0x4000  }
0x160: {  	[sflag:s17] =	ssyncset.done $0x0  }
0x161: {  	s9 =	rddreg [dreg:$0xa];
	[sflag:s17] =	ssyncadd.s32 $0xFFFFC000  }
0x162: {  	[tilespmem:s13], [sflag:$0x1] =	stream.indirect.gather [hbm4b:s4+s12], $0x80, s9, s12, $0xb8;
	[tilespmem:$0x1D000] =	vst v63  }
0x163: {  	_ =	swait.ge [sflag:s18], $0x4000  }
0x164: {  	[sflag:s18] =	ssyncset.done $0x0  }
0x165: {  	s7 =	rddreg [dreg:$0xb];
	[sflag:s18] =	ssyncadd.s32 $0xFFFFC000  }
0x166: {  	[tilespmem:s14], [sflag:$0x2] =	stream.indirect.gather [hbm4b:s4+s12], $0x80, s7, s12, $0xb8;
	[tilespmem:$0x1D000] =	vst v63  }
0x167: {  	_ =	swait.ge [sflag:s15], $0x4000  }
0x168: {  	[sflag:s15] =	ssyncset.done $0x0  }
0x169: {  	s8 =	rddreg [dreg:$0xc];
	[sflag:s15] =	ssyncadd.s32 $0xFFFFC000  }
0x16a: {  	[spmem:s2] =	stream.indirect.scatter.add.f32 [tilespmem:s13], [sflag:$0x3], $0x80, s8, s12, $0xb8;
	[tilespmem:$0x1D000] =	vst v63  }
0x16b: {  	_ =	swait.ge [sflag:s16], $0x4000  }
0x16c: {  	[sflag:s16] =	ssyncset.done $0x0  }
0x16d: {  	s9 =	rddreg [dreg:$0xd];
	[sflag:s16] =	ssyncadd.s32 $0xFFFFC000  }
0x16e: {  	[spmem:s2] =	stream.indirect.scatter.add.f32 [tilespmem:s14], [sflag:$0x4], $0x80, s9, s12, $0xb8;
	[tilespmem:$0x1D000] =	vst v63  }
0x16f: {  	_ =	swait.ge [sflag:s17], $0x4000  }
0x170: {  	[sflag:s17] =	ssyncset.done $0x0  }
0x171: {  	s7 =	rddreg [dreg:$0xe];
	[sflag:s17] =	ssyncadd.s32 $0xFFFFC000  }
0x172: {  	[tilespmem:s13], [sflag:$0x1] =	stream.indirect.gather [hbm4b:s4+s12], $0x80, s7, s12, $0xb8;
	[tilespmem:$0x1D000] =	vst v63  }
0x173: {  	_ =	swait.ge [sflag:s18], $0x4000  }
0x174: {  	[sflag:s18] =	ssyncset.done $0x0  }
0x175: {  	s8 =	rddreg [dreg:$0xf];
	[sflag:s18] =	ssyncadd.s32 $0xFFFFC000  }
0x176: {  	[tilespmem:s14], [sflag:$0x2] =	stream.indirect.gather [hbm4b:s4+s12], $0x80, s8, s12, $0xb8;
	[tilespmem:$0x1D000] =	vst v63  }
0x177: {  	_ =	swait.ge [sflag:s15], $0x4000  }
0x178: {  	[sflag:s15] =	ssyncset.done $0x0  }
0x179: {  	s9 =	rddreg [dreg:$0x10];
	[sflag:s15] =	ssyncadd.s32 $0xFFFFC000  }
0x17a: {  	[spmem:s2] =	stream.indirect.scatter.add.f32 [tilespmem:s13], [sflag:$0x3], $0x80, s9, s12, $0xb8;
	[tilespmem:$0x1D000] =	vst v63  }
0x17b: {  	_ =	swait.ge [sflag:s16], $0x4000  }
0x17c: {  	[sflag:s16] =	ssyncset.done $0x0  }
0x17d: {  	s7 =	rddreg [dreg:$0x11];
	[sflag:s16] =	ssyncadd.s32 $0xFFFFC000  }
0x17e: {  	[spmem:s2] =	stream.indirect.scatter.add.f32 [tilespmem:s14], [sflag:$0x4], $0x80, s7, s12, $0xb8;
	[tilespmem:$0x1D000] =	vst v63  }
0x17f: {  	_ =	swait.ge [sflag:s17], $0x4000  }
0x180: {  	[sflag:s17] =	ssyncset.done $0x0  }
0x181: {  	s8 =	rddreg [dreg:$0x12];
	[sflag:s17] =	ssyncadd.s32 $0xFFFFC000  }
0x182: {  	[tilespmem:s13], [sflag:$0x1] =	stream.indirect.gather [hbm4b:s4+s12], $0x80, s8, s12, $0xb8;
	[tilespmem:$0x1D000] =	vst v63  }
0x183: {  	_ =	swait.ge [sflag:s18], $0x4000  }
0x184: {  	[sflag:s18] =	ssyncset.done $0x0  }
0x185: {  	[sflag:s18] =	ssyncadd.s32 $0xFFFFC000  }
0x186: {  	[tilespmem:s14], [sflag:$0x2] =	stream.indirect.gather [hbm4b:s4+s12], $0x80, s19, s12, $0xb8;
	[tilespmem:$0x1D000] =	vst v63  }
0x187: {  	_ =	swait.ge [sflag:s15], $0x4000  }
0x188: {  	[sflag:s15] =	ssyncset.done $0x0  }
0x189: {  	[sflag:s15] =	ssyncadd.s32 $0xFFFFC000  }
0x18a: {  	[spmem:s2] =	stream.indirect.scatter.add.f32 [tilespmem:s13], [sflag:$0x3], $0x80, s20, s12, $0xb8;
	[tilespmem:$0x1D000] =	vst v63  }
0x18b: {  	_ =	swait.ge [sflag:s16], $0x4000  }
0x18c: {  	[sflag:s16] =	ssyncset.done $0x0  }
0x18d: {  	[sflag:s16] =	ssyncadd.s32 $0xFFFFC000  }
0x18e: {  	[spmem:s2] =	stream.indirect.scatter.add.f32 [tilespmem:s14], [sflag:$0x4], $0x80, s21, s12, $0xb8;
	[tilespmem:$0x1D000] =	vst v63  }
0x18f: {  	_ =	swait.ge [sflag:s17], $0x4000  }
0x190: {  	[sflag:s17] =	ssyncset.done $0x0  }
0x191: {  	[sflag:s17] =	ssyncadd.s32 $0xFFFFC000  }
0x192: {  	[tilespmem:s13], [sflag:$0x1] =	stream.indirect.gather [hbm4b:s4+s12], $0x80, s22, s12, $0xb8;
	[tilespmem:$0x1D000] =	vst v63  }
0x193: {  	_ =	swait.ge [sflag:s18], $0x4000  }
0x194: {  	[sflag:s18] =	ssyncset.done $0x0  }
0x195: {  	[sflag:s18] =	ssyncadd.s32 $0xFFFFC000  }
0x196: {  	[tilespmem:s14], [sflag:$0x2] =	stream.indirect.gather [hbm4b:s4+s12], $0x80, s23, s12, $0xb8;
	[tilespmem:$0x1D000] =	vst v63  }
0x197: {  	_ =	swait.ge [sflag:s15], $0x4000  }
0x198: {  	[sflag:s15] =	ssyncset.done $0x0  }
0x199: {  	[sflag:s15] =	ssyncadd.s32 $0xFFFFC000  }
0x19a: {  	[spmem:s2] =	stream.indirect.scatter.add.f32 [tilespmem:s13], [sflag:$0x3], $0x80, s24, s12, $0xb8;
	[tilespmem:$0x1D000] =	vst v63  }
0x19b: {  	_ =	swait.ge [sflag:s16], $0x4000  }
0x19c: {  	[sflag:s16] =	ssyncset.done $0x0  }
0x19d: {  	[sflag:s16] =	ssyncadd.s32 $0xFFFFC000  }
0x19e: {  	[spmem:s2] =	stream.indirect.scatter.add.f32 [tilespmem:s14], [sflag:$0x4], $0x80, s25, s12, $0xb8;
	[tilespmem:$0x1D000] =	vst v63  }
0x19f: {  	_ =	swait.ge [sflag:s17], $0x4000  }
0x1a0: {  	[sflag:s17] =	ssyncset.done $0x0  }
0x1a1: {  	[sflag:s17] =	ssyncadd.s32 $0xFFFFC000  }
0x1a2: {  	[tilespmem:s13], [sflag:$0x1] =	stream.indirect.gather [hbm4b:s4+s12], $0x80, s26, s12, $0xb8;
	[tilespmem:$0x1D000] =	vst v63  }
0x1a3: {  	_ =	swait.ge [sflag:s18], $0x4000  }
0x1a4: {  	[sflag:s18] =	ssyncset.done $0x0  }
0x1a5: {  	[sflag:s18] =	ssyncadd.s32 $0xFFFFC000  }
0x1a6: {  	[tilespmem:s14], [sflag:$0x2] =	stream.indirect.gather [hbm4b:s4+s12], $0x80, s28, s12, $0xb8;
	[tilespmem:$0x1D000] =	vst v63  }
0x1a7: {  	_ =	swait.ge [sflag:s15], $0x4000  }
0x1a8: {  	[sflag:s15] =	ssyncset.done $0x0  }
0x1a9: {  	[sflag:s15] =	ssyncadd.s32 $0xFFFFC000  }
0x1aa: {  	[spmem:s2] =	stream.indirect.scatter.add.f32 [tilespmem:s13], [sflag:$0x3], $0x80, s29, s12, $0xb8;
	[tilespmem:$0x1D000] =	vst v63  }
0x1ab: {  	_ =	swait.ge [sflag:s16], $0x4000  }
0x1ac: {  	[sflag:s16] =	ssyncset.done $0x0  }
0x1ad: {  	[sflag:s16] =	ssyncadd.s32 $0xFFFFC000  }
0x1ae: {  	[spmem:s2] =	stream.indirect.scatter.add.f32 [tilespmem:s14], [sflag:$0x4], $0x80, s30, s12, $0xb8;
	[tilespmem:$0x1D000] =	vst v63  }
0x1af: {  	_ =	swait.ge [sflag:s17], $0x4000  }
0x1b0: {  	[sflag:s17] =	ssyncset.done $0x0  }
0x1b1: {  	[sflag:s17] =	ssyncadd.s32 $0xFFFFC000  }
0x1b2: {  	[tilespmem:s13], [sflag:$0x1] =	stream.indirect.gather [hbm4b:s4+s12], $0x80, s31, s12, $0xb8;
	[tilespmem:$0x1D000] =	vst v63  }
0x1b3: {  	_ =	swait.ge [sflag:s18], $0x4000  }
0x1b4: {  	[sflag:s18] =	ssyncset.done $0x0  }
0x1b5: {  	[sflag:s18] =	ssyncadd.s32 $0xFFFFC000  }
0x1b6: {  	[tilespmem:s14], [sflag:$0x2] =	stream.indirect.gather [hbm4b:s4+s12], $0x80, s1, s12, $0xb8;
	[tilespmem:$0x1D000] =	vst v63  }
0x1b7: {  	_ =	swait.ge [sflag:s15], $0x4000  }
0x1b8: {  	[sflag:s15] =	ssyncset.done $0x0  }
0x1b9: {  	[sflag:s15] =	ssyncadd.s32 $0xFFFFC000  }
0x1ba: {  	[spmem:s2] =	stream.indirect.scatter.add.f32 [tilespmem:s13], [sflag:$0x3], $0x80, s0, s12, $0xb8;
	[tilespmem:$0x1D000] =	vst v63  }
0x1bb: {  	_ =	swait.ge [sflag:s16], $0x4000  }
0x1bc: {  	[sflag:s16] =	ssyncset.done $0x0  }
0x1bd: {  	[sflag:s16] =	ssyncadd.s32 $0xFFFFC000  }
0x1be: {  	[spmem:s2] =	stream.indirect.scatter.add.f32 [tilespmem:s14], [sflag:$0x4], $0x80, s5, s12, $0xb8;
	[tilespmem:$0x1D000] =	vst v63  }
0x1bf: {  	_ =	swait.ge [sflag:s17], $0x4000  }
0x1c0: {  	[sflag:s17] =	ssyncset.done $0x0  }
0x1c1: {  	[sflag:s17] =	ssyncadd.s32 $0xFFFFC000  }
0x1c2: {  	_ =	swait.ge [sflag:s18], $0x4000  }
0x1c3: {  	[sflag:s18] =	ssyncset.done $0x0  }
0x1c4: {  	[sflag:s18] =	ssyncadd.s32 $0xFFFFC000  }
0x1c5: {  	[bflag:$0x0] =	sbarrier.arrive $0xFFFF  }
0x1c6: {  	s8 =	rddreg [dreg:$0x14]  }
0x1c7: {  	s9 =	rddreg [dreg:$0x15]  }
0x1c8: {  	s7 =	rddreg [dreg:$0x17]  }
0x1c9: {  	[hbm:s9], [sflag:s8] =	dma.local [spmem:s7], $0x2800  }
0x1ca: {  	_ =	swait.ge [sflag:s10], $0x2800  }
0x1cb: {  	s6 =	rddreg [dreg:$0x18]  }
0x1cc: {  	s9 =	sadd.s32 $0x1, s6;
	s6 =	rddreg [dreg:$0x16]  }
0x1cd: {  	p0 =	sne.s32 s9, s6  }
.Ltmp1:
0x1ce: {  	_ = 	snop;
	(pc) =	sbr.rel @p0 .LBB2_1-.Ltmp1, $3  }
0x1cf: {  	_ =	sdelay $0x1  }
0x1d0: {  	[sflag:s10] =	ssyncset.done $0x0  }
0x1d1: {  	[sflag:s10] =	ssyncadd.s32 $0xFFFFD800  }
0x1d2: {  	_ =	sfence.sel $0x180000  }
0x1d3: {  	[bflag:$0x0] =	sbarrier.arrive $0xFFFF  }
0x1d4: {  	_ =	strace $0x9000004D  }
0x1d5: {  	s0 =	stileid.u32;
	[bflag:$0x2] =	sbarrier.arrive $0xFFFF  }
0x1d6: {  	p0 =	sne.s32 s0, $0x0;
	s0 =	rddreg [dreg:$0x2]  }
0x1d7: {  	s0 =	sadd.s32 @!p0 $0x100000, s0  }
0x1d8: {  	[sflag:s0] =	ssyncadd.tile.s32 @!p0 $0x1;
	_ =	shalt  }
.Lfunc_end2:
_tile_overlayer_lowered:
.L_overlay_start_2:
0x1d9: {  	(tag) =	ssettag $0x2  }
0x1da: {  	s0 =	rddreg [dreg:$0x0];
	s2 =	stileid.u32  }
0x1db: {  	s1 =	rddreg [dreg:$0x1];
	p0 =	sne.s32 s2, $0x0  }
0x1dc: {  	s3 =	rddreg [dreg:$0x2];
	[bflag:$0x3] =	sbarrier.arrive $0xFFFF;
	s2 =	simm.s32 @!p0 $0x1C05  }
0x1dd: {  	[timem:s3], [sflag:s2] =	dma.local @!p0 [hbm:s0], s1  }
0x1de: {  	s0 =	simm.s32 @!p0 $0x5  }
0x1df: {  	_ =	swait.ge @!p0 [sflag:s0], s1  }
0x1e0: {  	s1 =	ssub.s32 @!p0 $0x0, s1;
	[sflag:s0] =	ssyncset.done @!p0 $0x0  }
0x1e1: {  	[sflag:s0] =	ssyncadd.s32 @!p0 s1  }
0x1e2: {  	[bflag:$0x3] =	sbarrier.arrive $0xFFFF  }
0x1e3: {  	_ =	shalt  }

// kernel: kernel.9.cloned.1.call-start
scs
__scs_entry_jumppad:
0x0: {  	(pc) =	sbr.rel $0x88, $3  }
0x1: {  	(tag) =	ssettag $0x0;
	lr =	simm.s32 $0x1  }
0x2: {  	[smem:$0x3F9B] =	sst lr;
	_ =	strace $0xD0000000  }
0x3: {  	_ = 	snop  }
0x4: {  	_ = 	snop  }
0x5: {  	_ = 	snop  }
0x6: {  	_ = 	snop  }
0x7: {  	_ = 	snop  }
__scs_overlays_trampoline_lowered:
0x8: {  	[smem:$0x3FAA] =	sst s0  }
0x9: {  	[smem:$0x3FAB] =	sst s1  }
0xa: {  	[smem:$0x3FAC] =	sst s2  }
0xb: {  	[smem:$0x3FAD] =	sst s3  }
0xc: {  	[smem:$0x3FAE] =	sst s4  }
0xd: {  	[smem:$0x3FAF] =	sst s5  }
0xe: {  	[smem:$0x3FB0] =	sst s6  }
0xf: {  	[smem:$0x3FB1] =	sst s7  }
0x10: {  	[smem:$0x3FB2] =	sst s8  }
0x11: {  	[smem:$0x3FB3] =	sst s9;
	s0 =	simm.s32 @!p0 $0x0  }
0x12: {  	s1 =	sld [smem:$0x3F99];
	s0 =	simm.s32 @p0 $0x1  }
0x13: {  	[smem:$0x3FB4] =	sst s0;
	s0 =	simm.s32 @!p1 $0x0  }
0x14: {  	s2 =	sld [smem:$0x3F98];
	s0 =	simm.s32 @p1 $0x1  }
0x15: {  	[smem:$0x3FB5] =	sst s0;
	s0 =	simm.s32 @!p2 $0x0  }
0x16: {  	s3 =	sld [smem:$0x3FDB];
	s0 =	simm.s32 @p2 $0x1  }
0x17: {  	s4 =	simm.s32 $0x1BF5;
	[smem:$0x3FB7] =	sst s0  }
0x18: {  	s0 =	sld [smem:$0x3F9A];
	_ =	swait.ge [sflag:s4], $0x0  }
0x19: {  	s7 =	sld [smem:$0x3F9B]  }
0x1a: {  	s8 =	sadd.s32 $0xFFFFE003, lr  }
0x1b: {  	s9 =	sadd.s32 $0xFFFFFEF7, lr;
	s5 =	simm.s32 $0xFFFFFFFF;
	p2 =	slt.u32 s8, $0xFFFFF086  }
0x1c: {  	p1 =	slt.u32 s9, $0xF7A;
	s5 =	simm.s32 @!p2 $0x0  }
0x1d: {  	s5 =	simm.s32 @p1 $0x1;
	p0 =	seq.s32 s7, s2  }
0x1e: {  	s7 =	smul.u32 @!p0 $0xF7A, s2;
	p2 =	seq.s32 @!p0 s5, $0x0  }
0x1f: {  	s9 =	smul.u32 $0xF7A, s1;
	s8 =	simm.s32 @!p0 $0x1BF5;
	p2 =	por !p2, p0  }
0x20: {  	[sflag:s8] =	ssyncset.s32 @!p0 $0xFFFFF086;
	s6 =	sadd.s32 @!p0 s3, s7;
	s7 =	simm.s32 @!p0 $0x108  }
0x21: {  	s3 =	sadd.s32 s3, s9;
	s6 =	sadd.s32 @!p0 $0x88, s6;
	s7 =	simm.s32 @p2 $0x1082  }
0x22: {  	[simem:s7], [sflag:s8] =	dma.local @!p0 [hbm:s6], $0xF7A  }
0x23: {  	s9 =	sor.u32 $0xD0000000, s2;
	s6 =	simm.s32 $0x108;
	_ =	swait.ge @!p0 [sflag:s8], $0x0  }
0x24: {  	s3 =	sadd.s32 $0x88, s3;
	s6 =	simm.s32 @!p1 $0x1082;
	[sflag:s4] =	ssyncset.s32 $0xFFFFF086  }
0x25: {  	[simem:s6], [sflag:s4] =	dma.local [hbm:s3], $0xF7A  }
0x26: {  	[smem:$0x3F9B] =	sst s1;
	(tag) =	ssettag s2;
	_ =	strace s9  }
0x27: {  	s1 =	sld [smem:$0x3FAB]  }
0x28: {  	s2 =	sld [smem:$0x3FAC]  }
0x29: {  	s4 =	sld [smem:$0x3FAE]  }
0x2a: {  	p0 =	seq.s32 s5, $0x0;
	s5 =	sld [smem:$0x3FAF]  }
0x2b: {  	s6 =	sld [smem:$0x3FB0]  }
0x2c: {  	s7 =	sld [smem:$0x3FB1]  }
0x2d: {  	s3 =	simm.s32 $0x108;
	s8 =	sld [smem:$0x3FB2]  }
0x2e: {  	s3 =	simm.s32 @!p0 $0x1082;
	s9 =	sld [smem:$0x3FB3]  }
0x2f: {  	lr =	sadd.s32 s0, s3;
	s0 =	sld [smem:$0x3FAA]  }
0x30: {  	s3 =	sld [smem:$0x3FAD]  }
0x31: {  	[smem:$0x3FB6] =	sst s10  }
0x32: {  	s10 =	sld [smem:$0x3FB4];
	_ =	sdelay $0x3  }
0x33: {  	p0 =	seq.s32 s10, $0x1;
	s10 =	sld [smem:$0x3FB6];
	_ =	sdelay $0x3  }
0x34: {  	[smem:$0x3FB6] =	sst s10  }
0x35: {  	s10 =	sld [smem:$0x3FB5];
	_ =	sdelay $0x3  }
0x36: {  	p1 =	seq.s32 s10, $0x1;
	s10 =	sld [smem:$0x3FB6];
	_ =	sdelay $0x3  }
0x37: {  	[smem:$0x3FB6] =	sst s10  }
0x38: {  	s10 =	sld [smem:$0x3FB7]  }
0x39: {  	_ = 	snop;
	(pc) =	sbr.ind lr, $3  }
0x3a: {  	_ = 	snop  }
0x3b: {  	_ = 	snop  }
0x3c: {  	p2 =	seq.s32 s10, $0x1;
	s10 =	sld [smem:$0x3FB6]  }
0x3d: {  	_ =	shalt  }
0x3e: {  	_ =	shalt  }
0x3f: {  	_ =	shalt  }
0x40: {  	_ =	shalt  }
0x41: {  	_ =	shalt  }
0x42: {  	_ =	shalt  }
0x43: {  	_ =	shalt  }
0x44: {  	_ =	shalt  }
0x45: {  	_ =	shalt  }
0x46: {  	_ =	shalt  }
0x47: {  	_ =	shalt  }
0x48: {  	_ =	shalt  }
0x49: {  	_ =	shalt  }
0x4a: {  	_ =	shalt  }
0x4b: {  	_ =	shalt  }
0x4c: {  	_ =	shalt  }
0x4d: {  	_ =	shalt  }
0x4e: {  	_ =	shalt  }
0x4f: {  	_ =	shalt  }
0x50: {  	_ =	shalt  }
0x51: {  	_ =	shalt  }
0x52: {  	_ =	shalt  }
0x53: {  	_ =	shalt  }
0x54: {  	_ =	shalt  }
0x55: {  	_ =	shalt  }
0x56: {  	_ =	shalt  }
0x57: {  	_ =	shalt  }
0x58: {  	_ =	shalt  }
0x59: {  	_ =	shalt  }
0x5a: {  	_ =	shalt  }
0x5b: {  	_ =	shalt  }
0x5c: {  	_ =	shalt  }
0x5d: {  	_ =	shalt  }
0x5e: {  	_ =	shalt  }
0x5f: {  	_ =	shalt  }
0x60: {  	_ =	shalt  }
0x61: {  	_ =	shalt  }
0x62: {  	_ =	shalt  }
0x63: {  	_ =	shalt  }
0x64: {  	_ =	shalt  }
0x65: {  	_ =	shalt  }
0x66: {  	_ =	shalt  }
0x67: {  	_ =	shalt  }
0x68: {  	_ =	shalt  }
0x69: {  	_ =	shalt  }
0x6a: {  	_ =	shalt  }
0x6b: {  	_ =	shalt  }
0x6c: {  	_ =	shalt  }
0x6d: {  	_ =	shalt  }
0x6e: {  	_ =	shalt  }
0x6f: {  	_ =	shalt  }
0x70: {  	_ =	shalt  }
0x71: {  	_ =	shalt  }
0x72: {  	_ =	shalt  }
0x73: {  	_ =	shalt  }
0x74: {  	_ =	shalt  }
0x75: {  	_ =	shalt  }
0x76: {  	_ =	shalt  }
0x77: {  	_ =	shalt  }
0x78: {  	_ =	shalt  }
0x79: {  	_ =	shalt  }
0x7a: {  	_ =	shalt  }
0x7b: {  	_ =	shalt  }
0x7c: {  	_ =	shalt  }
0x7d: {  	_ =	shalt  }
0x7e: {  	_ =	shalt  }
0x7f: {  	_ =	shalt  }
0x80: {  	_ =	shalt  }
0x81: {  	_ =	shalt  }
0x82: {  	_ =	shalt  }
0x83: {  	_ =	shalt  }
0x84: {  	_ =	shalt  }
0x85: {  	_ =	shalt  }
0x86: {  	_ =	shalt  }
0x87: {  	_ =	shalt  }
.Lfunc_end0:
.L_simem_size_0:
called_computation_lowered:
.L_overlay_start_0:
0x88: {  	s2 =	sld [smem:$0x3FD9]  }
0x89: {  	s3 =	sld [smem:$0x3FFE];
	_ =	sdelay $0x1  }
0x8a: {  	s1 =	srdreg.scid  }
0x8b: {  	s0 =	sand.u32 $0x1, s1  }
0x8c: {  	s16 =	sshll.u32 s0, $0xA;
	s2 =	sadd.s32 s3, s2  }
0x8d: {  	s2 =	sadd.s32 s2, s16  }
0x8e: {  	[smem:$0x3FC2] =	sst s2  }
0x8f: {  	_ = 	snop  }
0x90: {  	(tm) =	ssettm $0x1  }
0x91: {  	s17 =	sld [smem:$0x3FFB];
	_ =	sdelay $0x3  }
0x92: {  	_ =	strace s17  }
0x93: {  	s2 =	sld [smem:$0x3FFC];
	_ =	sdelay $0x3  }
0x94: {  	_ =	strace s2  }
0x95: {  	s2 =	sld [smem:$0x3FFD];
	_ =	sdelay $0x3  }
0x96: {  	_ =	strace s2  }
0x97: {  	_ =	strace $0x8FFFFFFF  }
0x98: {  	s18 =	sld [smem:$0x3FDB];
	_ =	sdelay $0x1  }
0x99: {  	s19 =	simm.s32 $_scs_section_size  }
0x9a: {  	s4 =	simm.s32 $_size__tile_overlayer_lowered;
	s5 =	simm.s32 $_tile_overlayer_lowered  }
0x9b: {  	s22 =	simm.s32 $0x1BFF;
	s21 =	sshll.u32 s5, $0x1;
	s2 =	sadd.s32 s19, s18  }
0x9c: {  	s6 =	simm.s32 $0x0;
	s20 =	sshll.u32 s4, $0x1;
	s4 =	sadd.s32 s21, s2  }
0x9d: {  	[timem:s6], [sflag:s22] =	dma.local [hbm:s4], s20  }
0x9e: {  	_ =	swait.ge [sflag:s22], s20  }
0x9f: {  	s3 =	ssub.s32 $0x0, s20;
	[sflag:s22] =	ssyncset.done $0x0  }
0xa0: {  	[sflag:s22] =	ssyncadd.s32 s3;
	_ =	sdelay $0x1  }
0xa1: {  	s23 =	simm.s32 $0x1B8B  }
0xa2: {  	_ =	swait.ge [sflag:s23], $0x1  }
0xa3: {  	[sflag:s23] =	ssyncset.done $0x0  }
0xa4: {  	s25 =	simm.s32 $0x1B8E;
	s24 =	sld [smem:$0x3FFE];
	[sflag:s23] =	ssyncadd.s32 $0xFFFFFFFF  }
0xa5: {  	s26 =	simm.s32 $execute0_lowered;
	[smem:$0x3FD2] =	sst s25  }
0xa6: {  	s4 =	sshll.u32 s26, $0x1;
	_ =	strace $0x80000046;
	[dreg:$0x1] =	wrdreg $0xFFFFFFFF  }
0xa7: {  	s28 =	simm.s32 $_size_execute0_lowered;
	s2 =	sadd.s32 s2, s4;
	[dreg:$0x0] =	wrdreg $0x0  }
0xa8: {  	s4 =	sshll.u32 s28, $0x1;
	[dreg:$0x2] =	wrdreg s2  }
0xa9: {  	[dreg:$0x3] =	wrdreg s4  }
0xaa: {  	[dreg:$0x4] =	wrdreg $0xC0  }
0xab: {  	_ =	task [dreg:s6], $0x5FFFF  }
0xac: {  	[dreg:$0x1] =	wrdreg $0xFFFFFFFF  }
0xad: {  	[dreg:$0x0] =	wrdreg $0x60  }
0xae: {  	[dreg:$0x2] =	wrdreg s24  }
0xaf: {  	[dreg:$0x3] =	wrdreg $0x68000  }
0xb0: {  	[dreg:$0x4] =	wrdreg $0x9  }
0xb1: {  	_ =	task.clear_ibuf [dreg:s6], $0x5FFFF;
	_ =	strace $0x90000046  }
0xb2: {  	s29 =	simm.s32 $0x9;
	_ =	strace $0x80000048  }
0xb3: {  	_ =	swait.ge [sflag:s29], $0x1  }
0xb4: {  	[sflag:s29] =	ssyncadd.s32 $0xFFFFFFFF  }
0xb5: {  	_ =	strace $0x90000048  }
0xb6: {  	_ =	sfence  }
0xb7: {  	s30 =	sld [smem:$0x0];
	_ =	sdelay $0x2  }
0xb8: {  	s31 =	sshll.u32 s1, $0xD;
	s1 =	sshrl.u32 s1, $0x2  }
0xb9: {  	s3 =	sand.u32 $0x4000, s31;
	s1 =	sadd.s32 s1, s30  }
0xba: {  	s0 =	sor.u32 s3, s0;
	s1 =	sshll.u32 s1, $0x11  }
0xbb: {  	s0 =	sor.u32 s1, s0  }
0xbc: {  	s0 =	sadd.s32 $0x8F2B, s0  }
0xbd: {  	[sflag:s0] =	ssyncadd.remote.s32 $0x1  }
0xbe: {  	_ =	sfence.sel $0xFFFF  }
0xbf: {  	[dreg:$0x0] =	wrdreg $0xFFFFFFFF;
	(pc) =	sbr.abs _section_cstart, $3  }
0xc0: {  	[dreg:$0x1] =	wrdreg $0xFFFFFFFF  }
0xc1: {  	_ =	task.clear_ibuf [dreg:s6], $0x2FFFF;
	_ =	strace $0x9FFFFFFF  }
0xc2: {  	(tm) =	ssettm $0x7FFFFFFF  }
0xc3: {  	_ =	shalt  }
tec
execute0_lowered:
.L_overlay_start_1:
0x0: {  	(tag) =	ssettag $0x1  }
0x1: {  	s0 =	srdreg.scid;
	s7 =	rddreg [dreg:$0x0]  }
0x2: {  	s2 =	rddreg [dreg:$0x1];
	s6 =	sand.u32 $0x1, s0;
	s0 =	stileid.u32  }
0x3: {  	s3 =	simm.s32 $0x0;
	s13 =	simm.s32 $0x80;
	s8 =	smul.u32 $0x2800, s0  }
0x4: {  	s14 =	simm.s32 $0x0;
	[smem:$0x7FF] =	sst s3;
	s9 =	smul.u32 $0x28000, s6  }
0x5: {  	s5 =	sadd.s32 $0x16400, s7;
	s1 =	sshll.u32 s6, $0x4;
	s11 =	smul.u32 $0x50000, s0  }
0x6: {  	s6 =	ssub.s32 $0x2, s6;
	s31 =	sshll.u32 s0, $0x6;
	s4 =	sor.u32 s0, s1  }
0x7: {  	s1 =	rddreg [dreg:$0x2];
	_ =	strace $0x80000047;
	s29 =	sshrl.u32 s6, $0x1  }
0x8: {  	s4 =	smul.u32 $0x500, s4;
	s8 =	sadd.s32 s8, s9;
	s30 =	sshrl.u32 s11, $0x2  }
0x9: {  	s9 =	simm.s32 $0x1;
	s11 =	sor.u32 $0x1C01, s31;
	s12 =	sadd.s32 s30, s2  }
0xa: {  	s10 =	sadd.s32 s4, s7;
	s4 =	sadd.s32 $0x18C00, s7;
	s7 =	sadd.s32 s8, s7  }
0xb: {  	s8 =	ssub.s32 s6, s29;
	s12 =	sshrl.u32 s12, $0x3;
	s6 =	sadd.s32 $0x2400, s10  }
0xc: {  	s7 =	sadd.s32 $0x19400, s7;
	s8 =	smax.u32 s8, $0x1;
	s10 =	simm.s32 $0x2800  }
.LBB2_1:
0xd: {  	[tilespmem:s3], [sflag:$0x1] =	stream.linear.gather [hbm4b:s6+s3], $0x2800, $0x38;
	[tilespmem:$0x1A800] =	vst v63  }
0xe: {  	_ =	swait.ge [sflag:s9], $0x2800  }
0xf: {  	[sflag:s9] =	ssyncset.done $0x0  }
0x10: {  	[sflag:s9] =	ssyncadd.s32 $0xFFFFD800  }
0x11: {  	[tilespmem:s10], [sflag:$0x1] =	stream.linear.gather [hbm4b:s4+s3], $0x4000, $0x38;
	[tilespmem:$0x1A800] =	vst v63  }
0x12: {  	_ =	swait.ge [sflag:s9], $0x4000  }
0x13: {  	[sflag:s9] =	ssyncset.done $0x0  }
0x14: {  	[sflag:s9] =	ssyncadd.s32 $0xFFFFC000  }
0x15: {  	[spmem:s12], [sflag:s11] =	dma.local [hbm:s5], $0x2800  }
0x16: {  	_ =	swait.ge [sflag:s9], $0x2800  }
0x17: {  	[sflag:s9] =	ssyncset.done $0x0  }
0x18: {  	[sflag:s9] =	ssyncadd.s32 $0xFFFFD800  }
0x19: {  	s15 =	simm.s32 $0x0;
	[bflag:$0x0] =	sbarrier.arrive $0xFFFF  }
0x1a: {  	[spmem:s2] =	stream.indirect.scatter.add.f32 [tilespmem:s10], [sflag:$0x1], $0x80, s15, s13, $0xb8;
	[tilespmem:$0x1A800] =	vst v63  }
0x1b: {  	_ =	swait.ge [sflag:s9], $0x4000  }
0x1c: {  	s15 =	simm.s32 $0x200;
	[sflag:s9] =	ssyncset.done $0x0  }
.LBB2_2:
0x1d: {  	s16 =	sshra.s32 s15, $0x2;
	[sflag:s9] =	ssyncadd.s32 $0xFFFFC000;
	p0 =	sne.s32 s15, $0x9E00  }
0x1e: {  	[spmem:s2] =	stream.indirect.scatter.add.f32 [tilespmem:s10], [sflag:$0x1], $0x80, s16, s13, $0xb8;
	[tilespmem:$0x1A800] =	vst v63  }
.Ltmp0:
0x1f: {  	_ = 	snop;
	(pc) =	sbr.rel @p0 .LBB2_2-.Ltmp0, $4  }
0x20: {  	_ = 	snop  }
0x21: {  	s15 =	sadd.s32 $0x200, s15  }
0x22: {  	_ =	swait.ge [sflag:s9], $0x4000  }
0x23: {  	[sflag:s9] =	ssyncset.done $0x0  }
0x24: {  	s14 =	sadd.s32 $0x1, s14  }
0x25: {  	[sflag:s9] =	ssyncadd.s32 $0xFFFFC000;
	p0 =	sne.s32 s14, s8  }
.Ltmp1:
0x26: {  	[bflag:$0x0] =	sbarrier.arrive $0xFFFF;
	(pc) =	sbr.rel @p0 .LBB2_1-.Ltmp1, $4  }
0x27: {  	[hbm:s7], [sflag:s11] =	dma.local [spmem:s12], $0x2800  }
0x28: {  	_ =	swait.ge [sflag:s9], $0x2800  }
0x29: {  	[sflag:s9] =	ssyncset.done $0x0  }
0x2a: {  	[sflag:s9] =	ssyncadd.s32 $0xFFFFD800  }
0x2b: {  	_ =	sfence.sel $0x180000  }
0x2c: {  	[bflag:$0x0] =	sbarrier.arrive $0xFFFF  }
0x2d: {  	p0 =	sne.s32 s0, $0x0;
	_ =	strace $0x90000047  }
0x2e: {  	s0 =	sadd.s32 @!p0 $0x100000, s1;
	[bflag:$0x2] =	sbarrier.arrive $0xFFFF  }
0x2f: {  	[sflag:s0] =	ssyncadd.tile.s32 @!p0 $0x1;
	_ =	shalt  }
.Lfunc_end2:
_tile_overlayer_lowered:
.L_overlay_start_2:
0x30: {  	(tag) =	ssettag $0x2  }
0x31: {  	s0 =	rddreg [dreg:$0x0];
	s2 =	stileid.u32  }
0x32: {  	s1 =	rddreg [dreg:$0x1];
	p0 =	sne.s32 s2, $0x0  }
0x33: {  	s3 =	rddreg [dreg:$0x2];
	[bflag:$0x3] =	sbarrier.arrive $0xFFFF;
	s2 =	simm.s32 @!p0 $0x1C01  }
0x34: {  	[timem:s3], [sflag:s2] =	dma.local @!p0 [hbm:s0], s1  }
0x35: {  	s0 =	simm.s32 @!p0 $0x1  }
0x36: {  	_ =	swait.ge @!p0 [sflag:s0], s1  }
0x37: {  	s1 =	ssub.s32 @!p0 $0x0, s1;
	[sflag:s0] =	ssyncset.done @!p0 $0x0  }
0x38: {  	[sflag:s0] =	ssyncadd.s32 @!p0 s1  }
0x39: {  	[bflag:$0x3] =	sbarrier.arrive $0xFFFF  }
0x3a: {  	_ =	shalt  }

</sc_bundles>
